<compile_context>
chip_gen: v7x
topology: tpu7x:2x2x1
jax: 0.10.2.dev20260603
libtpu: 0.0.44.dev20260713+nightly
codegen_flags: <defaults>
</compile_context>

<pallas_src>
import jax
import jax.numpy as jnp
from jax import lax
from jax.experimental import pallas as pl
from jax.experimental.pallas import tpu as pltpu
from jax.experimental.pallas import tpu_sc as plsc

B, N, D = 8, 10000, 128
TILE = 2000
NT = N // TILE

COS_POLY = (-2.40382631e-07, 2.45708619e-05, -1.38818799e-03,
            4.16657065e-02, -4.99999522e-01, 9.99999962e-01)


def _fast_cos(x):
  u = x * x
  acc = jnp.full_like(u, COS_POLY[0])
  for c in COS_POLY[1:]:
    acc = acc * u + c
  return acc


def _sc_gather_kernel(pm_hbm, memt_hbm, init_hbm, idx_hbm, fidx_hbm, tar_hbm,
                      rows_out, tv_out, iv_out,
                      idx_v, fidx_v, tar_v, rows_v, tv_v, iv_v, sem):
  wid = lax.axis_index("s") * 2 + lax.axis_index("c")

  @pl.when(wid == 0)
  def _():
    pltpu.sync_copy(idx_hbm, idx_v)
    pltpu.sync_copy(fidx_hbm, fidx_v)
    pltpu.sync_copy(tar_hbm, tar_v)
    c1 = pltpu.async_copy(pm_hbm.at[idx_v], rows_v, sem)
    c2 = pltpu.async_copy(memt_hbm.at[fidx_v], tv_v, sem)
    c3 = pltpu.async_copy(init_hbm.at[tar_v], iv_v, sem)
    c1.wait()
    c2.wait()
    c3.wait()
    pltpu.sync_copy(rows_v, rows_out)
    pltpu.sync_copy(tv_v, tv_out)
    pltpu.sync_copy(iv_v, iv_out)


def _agg_kernel(idx_ref,
                pm_ref, init_ref, embt_ref, mask_ref, rows16_ref, tv16_ref,
                iv8_ref, wt_row_ref, bt_row_ref, Wi_ref, Wh_ref, bi_ref,
                bh_ref, Wself_ref, bout_ref, W0_ref, Wmem_ref, Wt_ref,
                bmsg_ref, Wagg_ref, Wlin_ref, blin_ref,
                upd_ref, logit_ref, acc_ref, newrows_ref, ytar_ref):
  i = pl.program_id(0)
  base = i * TILE

  @pl.when(i == 0)
  def _():
    h = rows16_ref[...]
    t = tv16_ref[...]
    x = jnp.cos(t * wt_row_ref[...] + bt_row_ref[...])
    gi = jnp.dot(x, Wi_ref[...],
                 preferred_element_type=jnp.float32) + bi_ref[...]
    gh = jnp.dot(h, Wh_ref[...],
                 preferred_element_type=jnp.float32) + bh_ref[...]
    r = jax.nn.sigmoid(gi[:, :D] + gh[:, :D])
    z = jax.nn.sigmoid(gi[:, D:2 * D] + gh[:, D:2 * D])
    g = jnp.tanh(gi[:, 2 * D:] + r * gh[:, 2 * D:])
    new = (1.0 - z) * g + z * h
    newrows_ref[...] = new

    for b in range(B):
      row = new[B + b:B + b + 1, :]
      tb = idx_ref[B + b]
      for b2 in range(b + 1, B):
        row = jnp.where(idx_ref[B + b2] == tb, new[B + b2:B + b2 + 1, :], row)
      y = (iv8_ref[b:b + 1, :] * Wself_ref[0:1, :]
           + jnp.dot(row, Wself_ref[1:, :], preferred_element_type=jnp.float32)
           + bout_ref[...])
      ytar_ref[pl.ds(b, 1), :] = y

  upd_ref[...] = pm_ref[...]
  for j in range(2 * B):
    r = idx_ref[j] - base
    in_tile = (r >= 0) & (r < TILE)
    rc = jnp.clip(r, 0, TILE - 1)

    @pl.when(in_tile)
    def _():
      upd_ref[pl.ds(rc, 1), :] = newrows_ref[j:j + 1, :]

  x_lat = upd_ref[...]
  c0 = (init_ref[...] * W0_ref[...]
        + jnp.dot(x_lat, Wmem_ref[...], preferred_element_type=jnp.float32)
        + bmsg_ref[...])

  wt = wt_row_ref[...]
  bt = bt_row_ref[...]
  for b in range(B):
    tb = embt_ref[:, b:b + 1]
    dd = _fast_cos(tb * wt + bt)
    m = jnp.maximum(
        c0 + jnp.dot(dd, Wt_ref[...], preferred_element_type=jnp.float32), 0.0)
    mb = mask_ref[:, b:b + 1]
    part = jax.lax.dot_general(
        mb, m, (((0,), (0,)), ((), ())),
        preferred_element_type=jnp.float32)

    @pl.when(i == 0)
    def _():
      acc_ref[pl.ds(b, 1), :] = part

    @pl.when(i > 0)
    def _():
      acc_ref[pl.ds(b, 1), :] = acc_ref[pl.ds(b, 1), :] + part

  @pl.when(i == NT - 1)
  def _():
    zagg = acc_ref[...]
    z = jnp.maximum(
        jnp.dot(zagg, Wagg_ref[...], preferred_element_type=jnp.float32)
        + ytar_ref[...], 0.0)
    logit_ref[...] = (
        jnp.dot(z, Wlin_ref[...], preferred_element_type=jnp.float32)
        + blin_ref[...])


def kernel(init_traj, traj, emb_t, mem_t, src, tar, n_mask, label, pre_memory,
           w_time, b_time, Wi, Wh, bi, bh, W_msg, b_msg, W_agg, W_self, b_out,
           W_lin, b_lin):
  del traj, label
  src_idx = src[:, 0].astype(jnp.int32)
  tar_idx = tar[:, 0].astype(jnp.int32)
  scat_idx = jnp.concatenate([src_idx, tar_idx], axis=0)
  embt2 = emb_t[:, :, 0].T
  maskT = n_mask.T
  wt = w_time[None, :]
  btm = b_time[None, :]
  bvec = jnp.tile(jnp.arange(B, dtype=jnp.int32), 2)
  flat_idx = bvec * N + scat_idx
  memt_flat = mem_t.reshape(B * N)

  sc_gather = pl.kernel(
      _sc_gather_kernel,
      out_type=[
          jax.ShapeDtypeStruct((2 * B, D), jnp.float32),
          jax.ShapeDtypeStruct((2 * B,), jnp.float32),
          jax.ShapeDtypeStruct((B,), jnp.float32),
      ],
      mesh=plsc.VectorSubcoreMesh(core_axis_name="c", subcore_axis_name="s"),
      scratch_types=[
          pltpu.VMEM((2 * B,), jnp.int32),
          pltpu.VMEM((2 * B,), jnp.int32),
          pltpu.VMEM((B,), jnp.int32),
          pltpu.VMEM((2 * B, D), jnp.float32),
          pltpu.VMEM((2 * B,), jnp.float32),
          pltpu.VMEM((B,), jnp.float32),
          pltpu.SemaphoreType.DMA,
      ],
  )
  rows16, tv16, iv8 = sc_gather(pre_memory, memt_flat, init_traj[:, 0],
                                scat_idx, flat_idx, tar_idx)

  grid_spec = pltpu.PrefetchScalarGridSpec(
      num_scalar_prefetch=1,
      grid=(NT,),
      in_specs=[
          pl.BlockSpec((TILE, D), lambda i, s: (i, 0)),
          pl.BlockSpec((TILE, 1), lambda i, s: (i, 0)),
          pl.BlockSpec((TILE, B), lambda i, s: (i, 0)),
          pl.BlockSpec((TILE, B), lambda i, s: (i, 0)),
          pl.BlockSpec((2 * B, D), lambda i, s: (0, 0)),
          pl.BlockSpec((2 * B, 1), lambda i, s: (0, 0)),
          pl.BlockSpec((B, 1), lambda i, s: (0, 0)),
          pl.BlockSpec((1, D), lambda i, s: (0, 0)),
          pl.BlockSpec((1, D), lambda i, s: (0, 0)),
          pl.BlockSpec((D, 3 * D), lambda i, s: (0, 0)),
          pl.BlockSpec((D, 3 * D), lambda i, s: (0, 0)),
          pl.BlockSpec((1, 3 * D), lambda i, s: (0, 0)),
          pl.BlockSpec((1, 3 * D), lambda i, s: (0, 0)),
          pl.BlockSpec((1 + D, D), lambda i, s: (0, 0)),
          pl.BlockSpec((1, D), lambda i, s: (0, 0)),
          pl.BlockSpec((1, D), lambda i, s: (0, 0)),
          pl.BlockSpec((D, D), lambda i, s: (0, 0)),
          pl.BlockSpec((D, D), lambda i, s: (0, 0)),
          pl.BlockSpec((1, D), lambda i, s: (0, 0)),
          pl.BlockSpec((D, D), lambda i, s: (0, 0)),
          pl.BlockSpec((D, 1), lambda i, s: (0, 0)),
          pl.BlockSpec((1, 1), lambda i, s: (0, 0)),
      ],
      out_specs=[
          pl.BlockSpec((TILE, D), lambda i, s: (i, 0)),
          pl.BlockSpec((B, 1), lambda i, s: (0, 0)),
      ],
      scratch_shapes=[
          pltpu.VMEM((B, D), jnp.float32),
          pltpu.VMEM((2 * B, D), jnp.float32),
          pltpu.VMEM((B, D), jnp.float32),
      ],
  )

  updated, logit = pl.pallas_call(
      _agg_kernel,
      grid_spec=grid_spec,
      out_shape=[
          jax.ShapeDtypeStruct((N, D), jnp.float32),
          jax.ShapeDtypeStruct((B, 1), jnp.float32),
      ],
  )(scat_idx,
    pre_memory, init_traj, embt2, maskT, rows16, tv16[:, None], iv8[:, None],
    wt, btm, Wi, Wh, bi[None, :], bh[None, :], W_self, b_out[None, :],
    W_msg[0:1, :], W_msg[1:1 + D, :], W_msg[1 + D:, :],
    b_msg[None, :], W_agg, W_lin, b_lin[None, :])

  return (logit, updated)

# --- scband reference (transcript-rebuilt; emitter-appended) ---
"""Pipeline reference for scband-tgn-7378753815374 (READ-ONLY COPY).

The authoritative reference and input builder live on the scoring server;
editing this copy changes nothing except your own understanding.
"""

import jax, jax.numpy as jnp
import numpy as np

B, N, D = 8, 10000, 128


def setup_inputs(seed: int = 0) -> dict:
    key = jax.random.key(seed)
    ks = jax.random.split(key, 20)
    inp = {}
    inp["init_traj"] = jax.random.normal(ks[0], (N, 1), dtype=jnp.float32)
    inp["traj"] = jax.random.normal(ks[1], (B, N, 1), dtype=jnp.float32)
    inp["emb_t"] = jax.random.uniform(ks[2], (B, N, 1), dtype=jnp.float32)
    inp["mem_t"] = jax.random.uniform(ks[3], (B, N, 1), dtype=jnp.float32)
    inp["src"] = jax.random.randint(ks[4], (B, 1), 0, N, dtype=jnp.int64) if jax.config.jax_enable_x64 else jax.random.randint(ks[4], (B, 1), 0, N).astype(jnp.int32)
    inp["tar"] = jax.random.randint(ks[5], (B, 1), 0, N, dtype=jnp.int64) if jax.config.jax_enable_x64 else jax.random.randint(ks[5], (B, 1), 0, N).astype(jnp.int32)
    inp["n_mask"] = jax.random.uniform(ks[6], (B, N), dtype=jnp.float32)
    inp["label"] = jax.random.uniform(ks[7], (B, 1), dtype=jnp.float32)
    inp["pre_memory"] = jax.random.normal(ks[8], (N, D), dtype=jnp.float32)
    # learned parameters
    inp["w_time"] = jax.random.normal(ks[9], (D,), dtype=jnp.float32) * 0.1
    inp["b_time"] = jnp.zeros((D,), dtype=jnp.float32)
    inp["Wi"] = jax.random.normal(ks[10], (D, 3 * D), dtype=jnp.float32) / np.sqrt(D)
    inp["Wh"] = jax.random.normal(ks[11], (D, 3 * D), dtype=jnp.float32) / np.sqrt(D)
    inp["bi"] = jnp.zeros((3 * D,), dtype=jnp.float32)
    inp["bh"] = jnp.zeros((3 * D,), dtype=jnp.float32)
    inp["W_msg"] = jax.random.normal(ks[12], (1 + 2 * D, D), dtype=jnp.float32) / np.sqrt(1 + 2 * D)
    inp["b_msg"] = jnp.zeros((D,), dtype=jnp.float32)
    inp["W_agg"] = jax.random.normal(ks[13], (D, D), dtype=jnp.float32) / np.sqrt(D)
    inp["W_self"] = jax.random.normal(ks[14], (1 + D, D), dtype=jnp.float32) / np.sqrt(1 + D)
    inp["b_out"] = jnp.zeros((D,), dtype=jnp.float32)
    inp["W_lin"] = jax.random.normal(ks[15], (D, 1), dtype=jnp.float32) / np.sqrt(D)
    inp["b_lin"] = jnp.zeros((1,), dtype=jnp.float32)
    return inp


def _gru(x, h, Wi, Wh, bi, bh):
    gi = x @ Wi + bi
    gh = h @ Wh + bh
    ir, iz, ig = jnp.split(gi, 3, axis=-1)
    hr, hz, hg = jnp.split(gh, 3, axis=-1)
    r = jax.nn.sigmoid(ir + hr)
    z = jax.nn.sigmoid(iz + hz)
    g = jnp.tanh(ig + r * hg)
    return (1.0 - z) * g + z * h


def reference(init_traj, traj, emb_t, mem_t, src, tar, n_mask, label, pre_memory,
              w_time, b_time, Wi, Wh, bi, bh, W_msg, b_msg, W_agg, W_self, b_out, W_lin, b_lin):
    Bb, Nn = traj.shape[0], traj.shape[1]
    Dd = pre_memory.shape[1]
    src_idx = src[:, 0]
    tar_idx = tar[:, 0]
    bidx = jnp.arange(Bb)
    # 1. memory update from raw messages (time-encoded deltas), GRU cell at src/tar nodes
    delta_mem = jnp.cos(mem_t * w_time + b_time)  # [B,N,D]
    msg_src = delta_mem[bidx, src_idx]            # gather [B,D]
    msg_tar = delta_mem[bidx, tar_idx]
    h_src = pre_memory[src_idx]                   # gather from memory table
    h_tar = pre_memory[tar_idx]
    new_src = _gru(msg_src, h_src, Wi, Wh, bi, bh)
    new_tar = _gru(msg_tar, h_tar, Wi, Wh, bi, bh)
    updated = pre_memory.at[src_idx].set(new_src)  # scatter-overwrite
    updated = updated.at[tar_idx].set(new_tar)
    # 2. embedding (GraphSum): x = [init_traj ; raw(zeros)+memory]
    x0 = jnp.broadcast_to(init_traj[None], (Bb, Nn, 1))
    x_lat = jnp.broadcast_to(updated[None], (Bb, Nn, Dd))
    delta_emb = jnp.cos(emb_t * w_time + b_time)   # [B,N,D]
    h_in = jnp.concatenate([x0, x_lat, delta_emb], axis=-1)  # [B,N,1+2D]
    msg = jax.nn.relu(h_in @ W_msg + b_msg)        # [B,N,D]
    z_agg = jnp.sum(msg * n_mask[..., None], axis=1)  # masked neighbor sum [B,D]
    x_eff = jnp.concatenate([x0, x_lat], axis=-1)  # [B,N,1+D]
    x_tar = x_eff[bidx, tar_idx]                   # gather target node feats [B,1+D]
    z = jax.nn.relu(z_agg @ W_agg + x_tar @ W_self + b_out)
    logit = z @ W_lin + b_lin                      # [B,1]
    return (logit, updated)

if __name__ == "__main__":
    import jax
    _d = setup_inputs()
    print(jax.jit(kernel)(*tuple(_d.values())))

</pallas_src>

<mosaic_0001>
#map = affine_map<(d0, d1) -> (0, 0)>
#map1 = affine_map<(d0, d1) -> (0)>
module attributes {stable_mosaic.version = 14 : i64} {
  func.func @_sc_gather_kernel(%arg0: i32, %arg1: i32, %arg2: memref<10000x128xf32, #tpu.memory_space<hbm>>, %arg3: memref<80000xf32, #tpu.memory_space<hbm>>, %arg4: memref<10000xf32, #tpu.memory_space<hbm>>, %arg5: memref<16xi32, #tpu.memory_space<hbm>>, %arg6: memref<16xi32, #tpu.memory_space<hbm>>, %arg7: memref<8xi32, #tpu.memory_space<hbm>>, %arg8: memref<16x128xf32, #tpu.memory_space<hbm>>, %arg9: memref<16xf32, #tpu.memory_space<hbm>>, %arg10: memref<8xf32, #tpu.memory_space<hbm>>, %arg11: memref<16xi32, #tpu.memory_space<vmem>>, %arg12: memref<16xi32, #tpu.memory_space<vmem>>, %arg13: memref<8xi32, #tpu.memory_space<vmem>>, %arg14: memref<16x128xf32, #tpu.memory_space<vmem>>, %arg15: memref<16xf32, #tpu.memory_space<vmem>>, %arg16: memref<8xf32, #tpu.memory_space<vmem>>, %arg17: memref<!tpu.dma_semaphore, #tpu.memory_space<semaphore_mem>>) attributes {dimension_semantics = [#tpu.dimension_semantics<core_parallel>, #tpu.dimension_semantics<subcore_parallel>], iteration_bounds = array<i64: 2, 16>, scalar_prefetch = 0 : i64, scratch_operands = 7 : i64, tpu.core_type = #tpu.core_type<sc_vector_subcore>, window_params = [{transform_indices = #map}, {transform_indices = #map1}, {transform_indices = #map1}, {transform_indices = #map1}, {transform_indices = #map1}, {transform_indices = #map1}, {transform_indices = #map}, {transform_indices = #map1}, {transform_indices = #map1}]} {
    %mul3A = arith.constant 2 : i32
    %mul3A_0 = arith.muli %arg1, %mul3A : i32
    %add3A = arith.addi %mul3A_0, %arg0 : i32
    %eq3A = arith.constant 0 : i32
    %eq3A_1 = arith.cmpi eq, %add3A, %eq3A : i32
    %convert_element_type3A = arith.extui %eq3A_1 : i1 to i32
    %cond3A = arith.constant 0 : i32
    %cond3A_2 = arith.cmpi ne, %convert_element_type3A, %cond3A : i32
    scf.if %cond3A_2 {
      "tpu.region"() ({
        %run_scoped3A = tpu.sem_alloc : memref<!tpu.dma_semaphore, #tpu.memory_space<semaphore_mem>>
        tpu.enqueue_dma source(%arg5 : memref<16xi32, #tpu.memory_space<hbm>>) target(%arg11 : memref<16xi32, #tpu.memory_space<vmem>>) target_semaphore(%run_scoped3A : memref<!tpu.dma_semaphore, #tpu.memory_space<semaphore_mem>>)
        tpu.wait_dma2 semaphore(%run_scoped3A : memref<!tpu.dma_semaphore, #tpu.memory_space<semaphore_mem>>) src(%arg5 : memref<16xi32, #tpu.memory_space<hbm>>) dst(%arg11 : memref<16xi32, #tpu.memory_space<vmem>>)
        tpu.yield
      }) : () -> ()
      "tpu.region"() ({
        %run_scoped3A = tpu.sem_alloc : memref<!tpu.dma_semaphore, #tpu.memory_space<semaphore_mem>>
        tpu.enqueue_dma source(%arg6 : memref<16xi32, #tpu.memory_space<hbm>>) target(%arg12 : memref<16xi32, #tpu.memory_space<vmem>>) target_semaphore(%run_scoped3A : memref<!tpu.dma_semaphore, #tpu.memory_space<semaphore_mem>>)
        tpu.wait_dma2 semaphore(%run_scoped3A : memref<!tpu.dma_semaphore, #tpu.memory_space<semaphore_mem>>) src(%arg6 : memref<16xi32, #tpu.memory_space<hbm>>) dst(%arg12 : memref<16xi32, #tpu.memory_space<vmem>>)
        tpu.yield
      }) : () -> ()
      "tpu.region"() ({
        %run_scoped3A = tpu.sem_alloc : memref<!tpu.dma_semaphore, #tpu.memory_space<semaphore_mem>>
        tpu.enqueue_dma source(%arg7 : memref<8xi32, #tpu.memory_space<hbm>>) target(%arg13 : memref<8xi32, #tpu.memory_space<vmem>>) target_semaphore(%run_scoped3A : memref<!tpu.dma_semaphore, #tpu.memory_space<semaphore_mem>>)
        tpu.wait_dma2 semaphore(%run_scoped3A : memref<!tpu.dma_semaphore, #tpu.memory_space<semaphore_mem>>) src(%arg7 : memref<8xi32, #tpu.memory_space<hbm>>) dst(%arg13 : memref<8xi32, #tpu.memory_space<vmem>>)
        tpu.yield
      }) : () -> ()
      %dma_start3A = arith.constant 0 : i32
      %dma_start3A_3 = arith.constant 0 : i32
      %dma_start3A_4 = tpu.memref_slice %arg2[%dma_start3A, %dma_start3A_3] : memref<10000x128xf32, #tpu.memory_space<hbm>> -> memref<10000x128xf32, #tpu.memory_space<hbm>>
      tpu.enqueue_indirect_dma source(%dma_start3A_4 : memref<10000x128xf32, #tpu.memory_space<hbm>>) target(%arg14 : memref<16x128xf32, #tpu.memory_space<vmem>>) offsets(%arg11 : memref<16xi32, #tpu.memory_space<vmem>>) semaphore(%arg17 : memref<!tpu.dma_semaphore, #tpu.memory_space<semaphore_mem>>)
      %dma_start3A_5 = arith.constant 0 : i32
      %dma_start3A_6 = tpu.memref_slice %arg3[%dma_start3A_5] : memref<80000xf32, #tpu.memory_space<hbm>> -> memref<80000xf32, #tpu.memory_space<hbm>>
      tpu.enqueue_indirect_dma source(%dma_start3A_6 : memref<80000xf32, #tpu.memory_space<hbm>>) target(%arg15 : memref<16xf32, #tpu.memory_space<vmem>>) offsets(%arg12 : memref<16xi32, #tpu.memory_space<vmem>>) semaphore(%arg17 : memref<!tpu.dma_semaphore, #tpu.memory_space<semaphore_mem>>)
      %dma_start3A_7 = arith.constant 0 : i32
      %dma_start3A_8 = tpu.memref_slice %arg4[%dma_start3A_7] : memref<10000xf32, #tpu.memory_space<hbm>> -> memref<10000xf32, #tpu.memory_space<hbm>>
      tpu.enqueue_indirect_dma source(%dma_start3A_8 : memref<10000xf32, #tpu.memory_space<hbm>>) target(%arg16 : memref<8xf32, #tpu.memory_space<vmem>>) offsets(%arg13 : memref<8xi32, #tpu.memory_space<vmem>>) semaphore(%arg17 : memref<!tpu.dma_semaphore, #tpu.memory_space<semaphore_mem>>)
      %dma_wait3A = arith.constant 0 : i32
      %dma_wait3A_9 = arith.constant 0 : i32
      %dma_wait3A_10 = tpu.memref_slice %arg2[%dma_wait3A, %dma_wait3A_9] : memref<10000x128xf32, #tpu.memory_space<hbm>> -> memref<10000x128xf32, #tpu.memory_space<hbm>>
      tpu.wait_indirect_dma semaphore(%arg17 : memref<!tpu.dma_semaphore, #tpu.memory_space<semaphore_mem>>) src(%dma_wait3A_10 : memref<10000x128xf32, #tpu.memory_space<hbm>>) dst(%arg14 : memref<16x128xf32, #tpu.memory_space<vmem>>)
      %dma_wait3A_11 = arith.constant 0 : i32
      %dma_wait3A_12 = tpu.memref_slice %arg3[%dma_wait3A_11] : memref<80000xf32, #tpu.memory_space<hbm>> -> memref<80000xf32, #tpu.memory_space<hbm>>
      tpu.wait_indirect_dma semaphore(%arg17 : memref<!tpu.dma_semaphore, #tpu.memory_space<semaphore_mem>>) src(%dma_wait3A_12 : memref<80000xf32, #tpu.memory_space<hbm>>) dst(%arg15 : memref<16xf32, #tpu.memory_space<vmem>>)
      %dma_wait3A_13 = arith.constant 0 : i32
      %dma_wait3A_14 = tpu.memref_slice %arg4[%dma_wait3A_13] : memref<10000xf32, #tpu.memory_space<hbm>> -> memref<10000xf32, #tpu.memory_space<hbm>>
      tpu.wait_indirect_dma semaphore(%arg17 : memref<!tpu.dma_semaphore, #tpu.memory_space<semaphore_mem>>) src(%dma_wait3A_14 : memref<10000xf32, #tpu.memory_space<hbm>>) dst(%arg16 : memref<8xf32, #tpu.memory_space<vmem>>)
      "tpu.region"() ({
        %run_scoped3A = tpu.sem_alloc : memref<!tpu.dma_semaphore, #tpu.memory_space<semaphore_mem>>
        tpu.enqueue_dma source(%arg14 : memref<16x128xf32, #tpu.memory_space<vmem>>) target(%arg8 : memref<16x128xf32, #tpu.memory_space<hbm>>) target_semaphore(%run_scoped3A : memref<!tpu.dma_semaphore, #tpu.memory_space<semaphore_mem>>)
        tpu.wait_dma2 semaphore(%run_scoped3A : memref<!tpu.dma_semaphore, #tpu.memory_space<semaphore_mem>>) src(%arg14 : memref<16x128xf32, #tpu.memory_space<vmem>>) dst(%arg8 : memref<16x128xf32, #tpu.memory_space<hbm>>)
        tpu.yield
      }) : () -> ()
      "tpu.region"() ({
        %run_scoped3A = tpu.sem_alloc : memref<!tpu.dma_semaphore, #tpu.memory_space<semaphore_mem>>
        tpu.enqueue_dma source(%arg15 : memref<16xf32, #tpu.memory_space<vmem>>) target(%arg9 : memref<16xf32, #tpu.memory_space<hbm>>) target_semaphore(%run_scoped3A : memref<!tpu.dma_semaphore, #tpu.memory_space<semaphore_mem>>)
        tpu.wait_dma2 semaphore(%run_scoped3A : memref<!tpu.dma_semaphore, #tpu.memory_space<semaphore_mem>>) src(%arg15 : memref<16xf32, #tpu.memory_space<vmem>>) dst(%arg9 : memref<16xf32, #tpu.memory_space<hbm>>)
        tpu.yield
      }) : () -> ()
      "tpu.region"() ({
        %run_scoped3A = tpu.sem_alloc : memref<!tpu.dma_semaphore, #tpu.memory_space<semaphore_mem>>
        tpu.enqueue_dma source(%arg16 : memref<8xf32, #tpu.memory_space<vmem>>) target(%arg10 : memref<8xf32, #tpu.memory_space<hbm>>) target_semaphore(%run_scoped3A : memref<!tpu.dma_semaphore, #tpu.memory_space<semaphore_mem>>)
        tpu.wait_dma2 semaphore(%run_scoped3A : memref<!tpu.dma_semaphore, #tpu.memory_space<semaphore_mem>>) src(%arg16 : memref<8xf32, #tpu.memory_space<vmem>>) dst(%arg10 : memref<8xf32, #tpu.memory_space<hbm>>)
        tpu.yield
      }) : () -> ()
    } else {
    }
    return
  }
}

module attributes {stable_mosaic.version = 14 : i64} {
  func.func @_agg_kernel(%arg0: i32, %arg1: memref<16xi32, #tpu.memory_space<smem>>, %arg2: memref<2000x128xf32, #tpu.memory_space<vmem>>, %arg3: memref<2000x1xf32, #tpu.memory_space<vmem>>, %arg4: memref<2000x8xf32, #tpu.memory_space<vmem>>, %arg5: memref<2000x8xf32, #tpu.memory_space<vmem>>, %arg6: memref<16x128xf32, #tpu.memory_space<vmem>>, %arg7: memref<16x1xf32, #tpu.memory_space<vmem>>, %arg8: memref<8x1xf32, #tpu.memory_space<vmem>>, %arg9: memref<1x128xf32, #tpu.memory_space<vmem>>, %arg10: memref<1x128xf32, #tpu.memory_space<vmem>>, %arg11: memref<128x384xf32, #tpu.memory_space<vmem>>, %arg12: memref<128x384xf32, #tpu.memory_space<vmem>>, %arg13: memref<1x384xf32, #tpu.memory_space<vmem>>, %arg14: memref<1x384xf32, #tpu.memory_space<vmem>>, %arg15: memref<129x128xf32, #tpu.memory_space<vmem>>, %arg16: memref<1x128xf32, #tpu.memory_space<vmem>>, %arg17: memref<1x128xf32, #tpu.memory_space<vmem>>, %arg18: memref<128x128xf32, #tpu.memory_space<vmem>>, %arg19: memref<128x128xf32, #tpu.memory_space<vmem>>, %arg20: memref<1x128xf32, #tpu.memory_space<vmem>>, %arg21: memref<128x128xf32, #tpu.memory_space<vmem>>, %arg22: memref<128x1xf32, #tpu.memory_space<vmem>>, %arg23: memref<1x1xf32, #tpu.memory_space<vmem>>, %arg24: memref<2000x128xf32, #tpu.memory_space<vmem>>, %arg25: memref<8x1xf32, #tpu.memory_space<vmem>>, %arg26: memref<8x128xf32, #tpu.memory_space<vmem>>, %arg27: memref<16x128xf32, #tpu.memory_space<vmem>>, %arg28: memref<8x128xf32, #tpu.memory_space<vmem>>) attributes {dimension_semantics = [#tpu.dimension_semantics<arbitrary>], iteration_bounds = array<i64: 5>, scalar_prefetch = 1 : i64, scratch_operands = 3 : i64, tpu.core_type = #tpu.core_type<tc>, window_params = [{transform_indices = @transform_0, window_bounds = array<i64: 2000, 128>}, {transform_indices = @transform_1, window_bounds = array<i64: 2000, 1>}, {transform_indices = @transform_2, window_bounds = array<i64: 2000, 8>}, {transform_indices = @transform_3, window_bounds = array<i64: 2000, 8>}, {pipeline_mode = #tpu.pipeline_mode<synchronous>, transform_indices = @transform_4, window_bounds = array<i64: 16, 128>}, {pipeline_mode = #tpu.pipeline_mode<synchronous>, transform_indices = @transform_5, window_bounds = array<i64: 16, 1>}, {pipeline_mode = #tpu.pipeline_mode<synchronous>, transform_indices = @transform_6, window_bounds = array<i64: 8, 1>}, {pipeline_mode = #tpu.pipeline_mode<synchronous>, transform_indices = @transform_7, window_bounds = array<i64: 1, 128>}, {pipeline_mode = #tpu.pipeline_mode<synchronous>, transform_indices = @transform_8, window_bounds = array<i64: 1, 128>}, {pipeline_mode = #tpu.pipeline_mode<synchronous>, transform_indices = @transform_9, window_bounds = array<i64: 128, 384>}, {pipeline_mode = #tpu.pipeline_mode<synchronous>, transform_indices = @transform_10, window_bounds = array<i64: 128, 384>}, {pipeline_mode = #tpu.pipeline_mode<synchronous>, transform_indices = @transform_11, window_bounds = array<i64: 1, 384>}, {pipeline_mode = #tpu.pipeline_mode<synchronous>, transform_indices = @transform_12, window_bounds = array<i64: 1, 384>}, {pipeline_mode = #tpu.pipeline_mode<synchronous>, transform_indices = @transform_13, window_bounds = array<i64: 129, 128>}, {pipeline_mode = #tpu.pipeline_mode<synchronous>, transform_indices = @transform_14, window_bounds = array<i64: 1, 128>}, {pipeline_mode = #tpu.pipeline_mode<synchronous>, transform_indices = @transform_15, window_bounds = array<i64: 1, 128>}, {pipeline_mode = #tpu.pipeline_mode<synchronous>, transform_indices = @transform_16, window_bounds = array<i64: 128, 128>}, {pipeline_mode = #tpu.pipeline_mode<synchronous>, transform_indices = @transform_17, window_bounds = array<i64: 128, 128>}, {pipeline_mode = #tpu.pipeline_mode<synchronous>, transform_indices = @transform_18, window_bounds = array<i64: 1, 128>}, {pipeline_mode = #tpu.pipeline_mode<synchronous>, transform_indices = @transform_19, window_bounds = array<i64: 128, 128>}, {pipeline_mode = #tpu.pipeline_mode<synchronous>, transform_indices = @transform_20, window_bounds = array<i64: 128, 1>}, {pipeline_mode = #tpu.pipeline_mode<synchronous>, transform_indices = @transform_21, window_bounds = array<i64: 1, 1>}, {transform_indices = @transform_22, window_bounds = array<i64: 2000, 128>}, {pipeline_mode = #tpu.pipeline_mode<synchronous>, transform_indices = @transform_23, window_bounds = array<i64: 8, 1>}]} {
    %mul3A = arith.constant 2000 : i32
    %mul3A_0 = arith.muli %arg0, %mul3A : i32
    %eq3A = arith.constant 0 : i32
    %eq3A_1 = arith.cmpi eq, %arg0, %eq3A : i32
    %convert_element_type3A = arith.extui %eq3A_1 : i1 to i32
    %cond3A = arith.constant 0 : i32
    %cond3A_2 = arith.cmpi ne, %convert_element_type3A, %cond3A : i32
    scf.if %cond3A_2 {
      %get3A_710 = arith.constant 0 : index
      %get3A_711 = arith.constant 0 : index
      %get3A_712 = vector.load %arg6[%get3A_710, %get3A_711] : memref<16x128xf32, #tpu.memory_space<vmem>>, vector<16x128xf32>
      %get3A_713 = arith.constant 0 : index
      %get3A_714 = arith.constant 0 : index
      %get3A_715 = vector.load %arg7[%get3A_713, %get3A_714] : memref<16x1xf32, #tpu.memory_space<vmem>>, vector<16x1xf32>
      %get3A_716 = arith.constant 0 : index
      %get3A_717 = arith.constant 0 : index
      %get3A_718 = vector.load %arg9[%get3A_716, %get3A_717] : memref<1x128xf32, #tpu.memory_space<vmem>>, vector<1x128xf32>
      %mul3A_719 = vector.broadcast %get3A_715 : vector<16x1xf32> to vector<16x128xf32>
      %mul3A_720 = vector.broadcast %get3A_718 : vector<1x128xf32> to vector<16x128xf32>
      %mul3A_721 = arith.mulf %mul3A_719, %mul3A_720 : vector<16x128xf32>
      %get3A_722 = arith.constant 0 : index
      %get3A_723 = arith.constant 0 : index
      %get3A_724 = vector.load %arg10[%get3A_722, %get3A_723] : memref<1x128xf32, #tpu.memory_space<vmem>>, vector<1x128xf32>
      %add3A_725 = vector.broadcast %get3A_724 : vector<1x128xf32> to vector<16x128xf32>
      %add3A_726 = arith.addf %mul3A_721, %add3A_725 : vector<16x128xf32>
      %cos3A = math.cos %add3A_726 : vector<16x128xf32>
      %get3A_727 = arith.constant 0 : index
      %get3A_728 = arith.constant 0 : index
      %get3A_729 = vector.load %arg11[%get3A_727, %get3A_728] : memref<128x384xf32, #tpu.memory_space<vmem>>, vector<128x384xf32>
      %dot_general3A_730 = arith.constant dense<0.000000e+00> : vector<16x384xf32>
      %dot_general3A_731 = tpu.matmul %cos3A, %get3A_729, %dot_general3A_730 {dimension_numbers = #tpu.dot_dimension_numbers<[1], [0], [0], [1], [0, 0, 1, 1], [], []>, transpose_lhs_hint = false} : vector<16x128xf32>, vector<128x384xf32>, vector<16x384xf32> -> vector<16x384xf32>
      %get3A_732 = arith.constant 0 : index
      %get3A_733 = arith.constant 0 : index
      %get3A_734 = vector.load %arg13[%get3A_732, %get3A_733] : memref<1x384xf32, #tpu.memory_space<vmem>>, vector<1x384xf32>
      %add3A_735 = vector.broadcast %get3A_734 : vector<1x384xf32> to vector<16x384xf32>
      %add3A_736 = arith.addf %dot_general3A_731, %add3A_735 : vector<16x384xf32>
      %get3A_737 = arith.constant 0 : index
      %get3A_738 = arith.constant 0 : index
      %get3A_739 = vector.load %arg12[%get3A_737, %get3A_738] : memref<128x384xf32, #tpu.memory_space<vmem>>, vector<128x384xf32>
      %dot_general3A_740 = arith.constant dense<0.000000e+00> : vector<16x384xf32>
      %dot_general3A_741 = tpu.matmul %get3A_712, %get3A_739, %dot_general3A_740 {dimension_numbers = #tpu.dot_dimension_numbers<[1], [0], [0], [1], [0, 0, 1, 1], [], []>, transpose_lhs_hint = false} : vector<16x128xf32>, vector<128x384xf32>, vector<16x384xf32> -> vector<16x384xf32>
      %get3A_742 = arith.constant 0 : index
      %get3A_743 = arith.constant 0 : index
      %get3A_744 = vector.load %arg14[%get3A_742, %get3A_743] : memref<1x384xf32, #tpu.memory_space<vmem>>, vector<1x384xf32>
      %add3A_745 = vector.broadcast %get3A_744 : vector<1x384xf32> to vector<16x384xf32>
      %add3A_746 = arith.addf %dot_general3A_741, %add3A_745 : vector<16x384xf32>
      %slice3A = vector.extract_strided_slice %add3A_736 {offsets = [0, 0], sizes = [16, 128], strides = [1, 1]} : vector<16x384xf32> to vector<16x128xf32>
      %slice3A_747 = vector.extract_strided_slice %add3A_746 {offsets = [0, 0], sizes = [16, 128], strides = [1, 1]} : vector<16x384xf32> to vector<16x128xf32>
      %add3A_748 = arith.addf %slice3A, %slice3A_747 : vector<16x128xf32>
      %logistic3A = arith.negf %add3A_748 : vector<16x128xf32>
      %logistic3A_749 = math.exp %logistic3A : vector<16x128xf32>
      %logistic3A_750 = arith.constant 1.000000e+00 : f32
      %logistic3A_751 = vector.broadcast %logistic3A_750 : f32 to vector<16x128xf32>
      %logistic3A_752 = arith.addf %logistic3A_751, %logistic3A_749 : vector<16x128xf32>
      %logistic3A_753 = arith.divf %logistic3A_751, %logistic3A_752 : vector<16x128xf32>
      %slice3A_754 = vector.extract_strided_slice %add3A_736 {offsets = [0, 128], sizes = [16, 128], strides = [1, 1]} : vector<16x384xf32> to vector<16x128xf32>
      %slice3A_755 = vector.extract_strided_slice %add3A_746 {offsets = [0, 128], sizes = [16, 128], strides = [1, 1]} : vector<16x384xf32> to vector<16x128xf32>
      %add3A_756 = arith.addf %slice3A_754, %slice3A_755 : vector<16x128xf32>
      %logistic3A_757 = arith.negf %add3A_756 : vector<16x128xf32>
      %logistic3A_758 = math.exp %logistic3A_757 : vector<16x128xf32>
      %logistic3A_759 = arith.constant 1.000000e+00 : f32
      %logistic3A_760 = vector.broadcast %logistic3A_759 : f32 to vector<16x128xf32>
      %logistic3A_761 = arith.addf %logistic3A_760, %logistic3A_758 : vector<16x128xf32>
      %logistic3A_762 = arith.divf %logistic3A_760, %logistic3A_761 : vector<16x128xf32>
      %slice3A_763 = vector.extract_strided_slice %add3A_736 {offsets = [0, 256], sizes = [16, 128], strides = [1, 1]} : vector<16x384xf32> to vector<16x128xf32>
      %slice3A_764 = vector.extract_strided_slice %add3A_746 {offsets = [0, 256], sizes = [16, 128], strides = [1, 1]} : vector<16x384xf32> to vector<16x128xf32>
      %mul3A_765 = arith.mulf %logistic3A_753, %slice3A_764 : vector<16x128xf32>
      %add3A_766 = arith.addf %slice3A_763, %mul3A_765 : vector<16x128xf32>
      %tanh3A = math.tanh %add3A_766 : vector<16x128xf32>
      %sub3A_767 = arith.constant 1.000000e+00 : f32
      %sub3A_768 = vector.broadcast %sub3A_767 : f32 to vector<16x128xf32>
      %sub3A_769 = arith.subf %sub3A_768, %logistic3A_762 : vector<16x128xf32>
      %mul3A_770 = arith.mulf %sub3A_769, %tanh3A : vector<16x128xf32>
      %mul3A_771 = arith.mulf %logistic3A_762, %get3A_712 : vector<16x128xf32>
      %add3A_772 = arith.addf %mul3A_770, %mul3A_771 : vector<16x128xf32>
      %swap3A_773 = arith.constant 0 : index
      %swap3A_774 = arith.constant 0 : index
      %swap3A_775 = vector.load %arg27[%swap3A_773, %swap3A_774] : memref<16x128xf32, #tpu.memory_space<vmem>>, vector<16x128xf32>
      tpu.vector_store %arg27[%swap3A_773, %swap3A_774], %add3A_772 {strides = array<i32>} : memref<16x128xf32, #tpu.memory_space<vmem>>, vector<16x128xf32>,
      %slice3A_776 = vector.extract_strided_slice %add3A_772 {offsets = [8, 0], sizes = [1, 128], strides = [1, 1]} : vector<16x128xf32> to vector<1x128xf32>
      %get3A_777 = arith.constant 8 : index
      %get3A_778 = memref.load %arg1[%get3A_777] : memref<16xi32, #tpu.memory_space<smem>>
      %get3A_779 = arith.constant 9 : index
      %get3A_780 = memref.load %arg1[%get3A_779] : memref<16xi32, #tpu.memory_space<smem>>
      %eq3A_781 = arith.cmpi eq, %get3A_780, %get3A_778 : i32
      %slice3A_782 = vector.extract_strided_slice %add3A_772 {offsets = [9, 0], sizes = [1, 128], strides = [1, 1]} : vector<16x128xf32> to vector<1x128xf32>
      %select_n3A = arith.select %eq3A_781, %slice3A_782, %slice3A_776 : vector<1x128xf32>
      %get3A_783 = arith.constant 10 : index
      %get3A_784 = memref.load %arg1[%get3A_783] : memref<16xi32, #tpu.memory_space<smem>>
      %eq3A_785 = arith.cmpi eq, %get3A_784, %get3A_778 : i32
      %slice3A_786 = vector.extract_strided_slice %add3A_772 {offsets = [10, 0], sizes = [1, 128], strides = [1, 1]} : vector<16x128xf32> to vector<1x128xf32>
      %select_n3A_787 = arith.select %eq3A_785, %slice3A_786, %select_n3A : vector<1x128xf32>
      %get3A_788 = arith.constant 11 : index
      %get3A_789 = memref.load %arg1[%get3A_788] : memref<16xi32, #tpu.memory_space<smem>>
      %eq3A_790 = arith.cmpi eq, %get3A_789, %get3A_778 : i32
      %slice3A_791 = vector.extract_strided_slice %add3A_772 {offsets = [11, 0], sizes = [1, 128], strides = [1, 1]} : vector<16x128xf32> to vector<1x128xf32>
      %select_n3A_792 = arith.select %eq3A_790, %slice3A_791, %select_n3A_787 : vector<1x128xf32>
      %get3A_793 = arith.constant 12 : index
      %get3A_794 = memref.load %arg1[%get3A_793] : memref<16xi32, #tpu.memory_space<smem>>
      %eq3A_795 = arith.cmpi eq, %get3A_794, %get3A_778 : i32
      %slice3A_796 = vector.extract_strided_slice %add3A_772 {offsets = [12, 0], sizes = [1, 128], strides = [1, 1]} : vector<16x128xf32> to vector<1x128xf32>
      %select_n3A_797 = arith.select %eq3A_795, %slice3A_796, %select_n3A_792 : vector<1x128xf32>
      %get3A_798 = arith.constant 13 : index
      %get3A_799 = memref.load %arg1[%get3A_798] : memref<16xi32, #tpu.memory_space<smem>>
      %eq3A_800 = arith.cmpi eq, %get3A_799, %get3A_778 : i32
      %slice3A_801 = vector.extract_strided_slice %add3A_772 {offsets = [13, 0], sizes = [1, 128], strides = [1, 1]} : vector<16x128xf32> to vector<1x128xf32>
      %select_n3A_802 = arith.select %eq3A_800, %slice3A_801, %select_n3A_797 : vector<1x128xf32>
      %get3A_803 = arith.constant 14 : index
      %get3A_804 = memref.load %arg1[%get3A_803] : memref<16xi32, #tpu.memory_space<smem>>
      %eq3A_805 = arith.cmpi eq, %get3A_804, %get3A_778 : i32
      %slice3A_806 = vector.extract_strided_slice %add3A_772 {offsets = [14, 0], sizes = [1, 128], strides = [1, 1]} : vector<16x128xf32> to vector<1x128xf32>
      %select_n3A_807 = arith.select %eq3A_805, %slice3A_806, %select_n3A_802 : vector<1x128xf32>
      %get3A_808 = arith.constant 15 : index
      %get3A_809 = memref.load %arg1[%get3A_808] : memref<16xi32, #tpu.memory_space<smem>>
      %eq3A_810 = arith.cmpi eq, %get3A_809, %get3A_778 : i32
      %slice3A_811 = vector.extract_strided_slice %add3A_772 {offsets = [15, 0], sizes = [1, 128], strides = [1, 1]} : vector<16x128xf32> to vector<1x128xf32>
      %select_n3A_812 = arith.select %eq3A_810, %slice3A_811, %select_n3A_807 : vector<1x128xf32>
      %get3A_813 = arith.constant 0 : index
      %get3A_814 = arith.constant 0 : index
      %get3A_815 = vector.load %arg8[%get3A_813, %get3A_814] : memref<8x1xf32, #tpu.memory_space<vmem>>, vector<1x1xf32>
      %get3A_816 = arith.constant 0 : index
      %get3A_817 = arith.constant 0 : index
      %get3A_818 = vector.load %arg15[%get3A_816, %get3A_817] : memref<129x128xf32, #tpu.memory_space<vmem>>, vector<1x128xf32>
      %mul3A_819 = vector.broadcast %get3A_815 : vector<1x1xf32> to vector<1x128xf32>
      %mul3A_820 = arith.mulf %mul3A_819, %get3A_818 : vector<1x128xf32>
      %get3A_821 = arith.constant 1 : index
      %get3A_822 = arith.constant 0 : index
      %get3A_823 = vector.load %arg15[%get3A_821, %get3A_822] : memref<129x128xf32, #tpu.memory_space<vmem>>, vector<128x128xf32>
      %dot_general3A_824 = arith.constant dense<0.000000e+00> : vector<1x128xf32>
      %dot_general3A_825 = tpu.matmul %select_n3A_812, %get3A_823, %dot_general3A_824 {dimension_numbers = #tpu.dot_dimension_numbers<[1], [0], [0], [1], [0, 0, 1, 1], [], []>, transpose_lhs_hint = false} : vector<1x128xf32>, vector<128x128xf32>, vector<1x128xf32> -> vector<1x128xf32>
      %add3A_826 = arith.addf %mul3A_820, %dot_general3A_825 : vector<1x128xf32>
      %get3A_827 = arith.constant 0 : index
      %get3A_828 = arith.constant 0 : index
      %get3A_829 = vector.load %arg16[%get3A_827, %get3A_828] : memref<1x128xf32, #tpu.memory_space<vmem>>, vector<1x128xf32>
      %add3A_830 = arith.addf %add3A_826, %get3A_829 : vector<1x128xf32>
      %swap3A_831 = arith.constant 0 : index
      %swap3A_832 = arith.constant 0 : index
      %swap3A_833 = vector.load %arg28[%swap3A_831, %swap3A_832] : memref<8x128xf32, #tpu.memory_space<vmem>>, vector<1x128xf32>
      tpu.vector_store %arg28[%swap3A_831, %swap3A_832], %add3A_830 {strides = array<i32>} : memref<8x128xf32, #tpu.memory_space<vmem>>, vector<1x128xf32>,
      %slice3A_834 = vector.extract_strided_slice %add3A_772 {offsets = [9, 0], sizes = [1, 128], strides = [1, 1]} : vector<16x128xf32> to vector<1x128xf32>
      %get3A_835 = arith.constant 9 : index
      %get3A_836 = memref.load %arg1[%get3A_835] : memref<16xi32, #tpu.memory_space<smem>>
      %get3A_837 = arith.constant 10 : index
      %get3A_838 = memref.load %arg1[%get3A_837] : memref<16xi32, #tpu.memory_space<smem>>
      %eq3A_839 = arith.cmpi eq, %get3A_838, %get3A_836 : i32
      %slice3A_840 = vector.extract_strided_slice %add3A_772 {offsets = [10, 0], sizes = [1, 128], strides = [1, 1]} : vector<16x128xf32> to vector<1x128xf32>
      %select_n3A_841 = arith.select %eq3A_839, %slice3A_840, %slice3A_834 : vector<1x128xf32>
      %get3A_842 = arith.constant 11 : index
      %get3A_843 = memref.load %arg1[%get3A_842] : memref<16xi32, #tpu.memory_space<smem>>
      %eq3A_844 = arith.cmpi eq, %get3A_843, %get3A_836 : i32
      %slice3A_845 = vector.extract_strided_slice %add3A_772 {offsets = [11, 0], sizes = [1, 128], strides = [1, 1]} : vector<16x128xf32> to vector<1x128xf32>
      %select_n3A_846 = arith.select %eq3A_844, %slice3A_845, %select_n3A_841 : vector<1x128xf32>
      %get3A_847 = arith.constant 12 : index
      %get3A_848 = memref.load %arg1[%get3A_847] : memref<16xi32, #tpu.memory_space<smem>>
      %eq3A_849 = arith.cmpi eq, %get3A_848, %get3A_836 : i32
      %slice3A_850 = vector.extract_strided_slice %add3A_772 {offsets = [12, 0], sizes = [1, 128], strides = [1, 1]} : vector<16x128xf32> to vector<1x128xf32>
      %select_n3A_851 = arith.select %eq3A_849, %slice3A_850, %select_n3A_846 : vector<1x128xf32>
      %get3A_852 = arith.constant 13 : index
      %get3A_853 = memref.load %arg1[%get3A_852] : memref<16xi32, #tpu.memory_space<smem>>
      %eq3A_854 = arith.cmpi eq, %get3A_853, %get3A_836 : i32
      %slice3A_855 = vector.extract_strided_slice %add3A_772 {offsets = [13, 0], sizes = [1, 128], strides = [1, 1]} : vector<16x128xf32> to vector<1x128xf32>
      %select_n3A_856 = arith.select %eq3A_854, %slice3A_855, %select_n3A_851 : vector<1x128xf32>
      %get3A_857 = arith.constant 14 : index
      %get3A_858 = memref.load %arg1[%get3A_857] : memref<16xi32, #tpu.memory_space<smem>>
      %eq3A_859 = arith.cmpi eq, %get3A_858, %get3A_836 : i32
      %slice3A_860 = vector.extract_strided_slice %add3A_772 {offsets = [14, 0], sizes = [1, 128], strides = [1, 1]} : vector<16x128xf32> to vector<1x128xf32>
      %select_n3A_861 = arith.select %eq3A_859, %slice3A_860, %select_n3A_856 : vector<1x128xf32>
      %get3A_862 = arith.constant 15 : index
      %get3A_863 = memref.load %arg1[%get3A_862] : memref<16xi32, #tpu.memory_space<smem>>
      %eq3A_864 = arith.cmpi eq, %get3A_863, %get3A_836 : i32
      %slice3A_865 = vector.extract_strided_slice %add3A_772 {offsets = [15, 0], sizes = [1, 128], strides = [1, 1]} : vector<16x128xf32> to vector<1x128xf32>
      %select_n3A_866 = arith.select %eq3A_864, %slice3A_865, %select_n3A_861 : vector<1x128xf32>
      %get3A_867 = arith.constant 1 : index
      %get3A_868 = arith.constant 0 : index
      %get3A_869 = vector.load %arg8[%get3A_867, %get3A_868] : memref<8x1xf32, #tpu.memory_space<vmem>>, vector<1x1xf32>
      %get3A_870 = arith.constant 0 : index
      %get3A_871 = arith.constant 0 : index
      %get3A_872 = vector.load %arg15[%get3A_870, %get3A_871] : memref<129x128xf32, #tpu.memory_space<vmem>>, vector<1x128xf32>
      %mul3A_873 = vector.broadcast %get3A_869 : vector<1x1xf32> to vector<1x128xf32>
      %mul3A_874 = arith.mulf %mul3A_873, %get3A_872 : vector<1x128xf32>
      %get3A_875 = arith.constant 1 : index
      %get3A_876 = arith.constant 0 : index
      %get3A_877 = vector.load %arg15[%get3A_875, %get3A_876] : memref<129x128xf32, #tpu.memory_space<vmem>>, vector<128x128xf32>
      %dot_general3A_878 = arith.constant dense<0.000000e+00> : vector<1x128xf32>
      %dot_general3A_879 = tpu.matmul %select_n3A_866, %get3A_877, %dot_general3A_878 {dimension_numbers = #tpu.dot_dimension_numbers<[1], [0], [0], [1], [0, 0, 1, 1], [], []>, transpose_lhs_hint = false} : vector<1x128xf32>, vector<128x128xf32>, vector<1x128xf32> -> vector<1x128xf32>
      %add3A_880 = arith.addf %mul3A_874, %dot_general3A_879 : vector<1x128xf32>
      %get3A_881 = arith.constant 0 : index
      %get3A_882 = arith.constant 0 : index
      %get3A_883 = vector.load %arg16[%get3A_881, %get3A_882] : memref<1x128xf32, #tpu.memory_space<vmem>>, vector<1x128xf32>
      %add3A_884 = arith.addf %add3A_880, %get3A_883 : vector<1x128xf32>
      %swap3A_885 = arith.constant 1 : index
      %swap3A_886 = arith.constant 0 : index
      %swap3A_887 = vector.load %arg28[%swap3A_885, %swap3A_886] : memref<8x128xf32, #tpu.memory_space<vmem>>, vector<1x128xf32>
      tpu.vector_store %arg28[%swap3A_885, %swap3A_886], %add3A_884 {strides = array<i32>} : memref<8x128xf32, #tpu.memory_space<vmem>>, vector<1x128xf32>,
      %slice3A_888 = vector.extract_strided_slice %add3A_772 {offsets = [10, 0], sizes = [1, 128], strides = [1, 1]} : vector<16x128xf32> to vector<1x128xf32>
      %get3A_889 = arith.constant 10 : index
      %get3A_890 = memref.load %arg1[%get3A_889] : memref<16xi32, #tpu.memory_space<smem>>
      %get3A_891 = arith.constant 11 : index
      %get3A_892 = memref.load %arg1[%get3A_891] : memref<16xi32, #tpu.memory_space<smem>>
      %eq3A_893 = arith.cmpi eq, %get3A_892, %get3A_890 : i32
      %slice3A_894 = vector.extract_strided_slice %add3A_772 {offsets = [11, 0], sizes = [1, 128], strides = [1, 1]} : vector<16x128xf32> to vector<1x128xf32>
      %select_n3A_895 = arith.select %eq3A_893, %slice3A_894, %slice3A_888 : vector<1x128xf32>
      %get3A_896 = arith.constant 12 : index
      %get3A_897 = memref.load %arg1[%get3A_896] : memref<16xi32, #tpu.memory_space<smem>>
      %eq3A_898 = arith.cmpi eq, %get3A_897, %get3A_890 : i32
      %slice3A_899 = vector.extract_strided_slice %add3A_772 {offsets = [12, 0], sizes = [1, 128], strides = [1, 1]} : vector<16x128xf32> to vector<1x128xf32>
      %select_n3A_900 = arith.select %eq3A_898, %slice3A_899, %select_n3A_895 : vector<1x128xf32>
      %get3A_901 = arith.constant 13 : index
      %get3A_902 = memref.load %arg1[%get3A_901] : memref<16xi32, #tpu.memory_space<smem>>
      %eq3A_903 = arith.cmpi eq, %get3A_902, %get3A_890 : i32
      %slice3A_904 = vector.extract_strided_slice %add3A_772 {offsets = [13, 0], sizes = [1, 128], strides = [1, 1]} : vector<16x128xf32> to vector<1x128xf32>
      %select_n3A_905 = arith.select %eq3A_903, %slice3A_904, %select_n3A_900 : vector<1x128xf32>
      %get3A_906 = arith.constant 14 : index
      %get3A_907 = memref.load %arg1[%get3A_906] : memref<16xi32, #tpu.memory_space<smem>>
      %eq3A_908 = arith.cmpi eq, %get3A_907, %get3A_890 : i32
      %slice3A_909 = vector.extract_strided_slice %add3A_772 {offsets = [14, 0], sizes = [1, 128], strides = [1, 1]} : vector<16x128xf32> to vector<1x128xf32>
      %select_n3A_910 = arith.select %eq3A_908, %slice3A_909, %select_n3A_905 : vector<1x128xf32>
      %get3A_911 = arith.constant 15 : index
      %get3A_912 = memref.load %arg1[%get3A_911] : memref<16xi32, #tpu.memory_space<smem>>
      %eq3A_913 = arith.cmpi eq, %get3A_912, %get3A_890 : i32
      %slice3A_914 = vector.extract_strided_slice %add3A_772 {offsets = [15, 0], sizes = [1, 128], strides = [1, 1]} : vector<16x128xf32> to vector<1x128xf32>
      %select_n3A_915 = arith.select %eq3A_913, %slice3A_914, %select_n3A_910 : vector<1x128xf32>
      %get3A_916 = arith.constant 2 : index
      %get3A_917 = arith.constant 0 : index
      %get3A_918 = vector.load %arg8[%get3A_916, %get3A_917] : memref<8x1xf32, #tpu.memory_space<vmem>>, vector<1x1xf32>
      %get3A_919 = arith.constant 0 : index
      %get3A_920 = arith.constant 0 : index
      %get3A_921 = vector.load %arg15[%get3A_919, %get3A_920] : memref<129x128xf32, #tpu.memory_space<vmem>>, vector<1x128xf32>
      %mul3A_922 = vector.broadcast %get3A_918 : vector<1x1xf32> to vector<1x128xf32>
      %mul3A_923 = arith.mulf %mul3A_922, %get3A_921 : vector<1x128xf32>
      %get3A_924 = arith.constant 1 : index
      %get3A_925 = arith.constant 0 : index
      %get3A_926 = vector.load %arg15[%get3A_924, %get3A_925] : memref<129x128xf32, #tpu.memory_space<vmem>>, vector<128x128xf32>
      %dot_general3A_927 = arith.constant dense<0.000000e+00> : vector<1x128xf32>
      %dot_general3A_928 = tpu.matmul %select_n3A_915, %get3A_926, %dot_general3A_927 {dimension_numbers = #tpu.dot_dimension_numbers<[1], [0], [0], [1], [0, 0, 1, 1], [], []>, transpose_lhs_hint = false} : vector<1x128xf32>, vector<128x128xf32>, vector<1x128xf32> -> vector<1x128xf32>
      %add3A_929 = arith.addf %mul3A_923, %dot_general3A_928 : vector<1x128xf32>
      %get3A_930 = arith.constant 0 : index
      %get3A_931 = arith.constant 0 : index
      %get3A_932 = vector.load %arg16[%get3A_930, %get3A_931] : memref<1x128xf32, #tpu.memory_space<vmem>>, vector<1x128xf32>
      %add3A_933 = arith.addf %add3A_929, %get3A_932 : vector<1x128xf32>
      %swap3A_934 = arith.constant 2 : index
      %swap3A_935 = arith.constant 0 : index
      %swap3A_936 = vector.load %arg28[%swap3A_934, %swap3A_935] : memref<8x128xf32, #tpu.memory_space<vmem>>, vector<1x128xf32>
      tpu.vector_store %arg28[%swap3A_934, %swap3A_935], %add3A_933 {strides = array<i32>} : memref<8x128xf32, #tpu.memory_space<vmem>>, vector<1x128xf32>,
      %slice3A_937 = vector.extract_strided_slice %add3A_772 {offsets = [11, 0], sizes = [1, 128], strides = [1, 1]} : vector<16x128xf32> to vector<1x128xf32>
      %get3A_938 = arith.constant 11 : index
      %get3A_939 = memref.load %arg1[%get3A_938] : memref<16xi32, #tpu.memory_space<smem>>
      %get3A_940 = arith.constant 12 : index
      %get3A_941 = memref.load %arg1[%get3A_940] : memref<16xi32, #tpu.memory_space<smem>>
      %eq3A_942 = arith.cmpi eq, %get3A_941, %get3A_939 : i32
      %slice3A_943 = vector.extract_strided_slice %add3A_772 {offsets = [12, 0], sizes = [1, 128], strides = [1, 1]} : vector<16x128xf32> to vector<1x128xf32>
      %select_n3A_944 = arith.select %eq3A_942, %slice3A_943, %slice3A_937 : vector<1x128xf32>
      %get3A_945 = arith.constant 13 : index
      %get3A_946 = memref.load %arg1[%get3A_945] : memref<16xi32, #tpu.memory_space<smem>>
      %eq3A_947 = arith.cmpi eq, %get3A_946, %get3A_939 : i32
      %slice3A_948 = vector.extract_strided_slice %add3A_772 {offsets = [13, 0], sizes = [1, 128], strides = [1, 1]} : vector<16x128xf32> to vector<1x128xf32>
      %select_n3A_949 = arith.select %eq3A_947, %slice3A_948, %select_n3A_944 : vector<1x128xf32>
      %get3A_950 = arith.constant 14 : index
      %get3A_951 = memref.load %arg1[%get3A_950] : memref<16xi32, #tpu.memory_space<smem>>
      %eq3A_952 = arith.cmpi eq, %get3A_951, %get3A_939 : i32
      %slice3A_953 = vector.extract_strided_slice %add3A_772 {offsets = [14, 0], sizes = [1, 128], strides = [1, 1]} : vector<16x128xf32> to vector<1x128xf32>
      %select_n3A_954 = arith.select %eq3A_952, %slice3A_953, %select_n3A_949 : vector<1x128xf32>
      %get3A_955 = arith.constant 15 : index
      %get3A_956 = memref.load %arg1[%get3A_955] : memref<16xi32, #tpu.memory_space<smem>>
      %eq3A_957 = arith.cmpi eq, %get3A_956, %get3A_939 : i32
      %slice3A_958 = vector.extract_strided_slice %add3A_772 {offsets = [15, 0], sizes = [1, 128], strides = [1, 1]} : vector<16x128xf32> to vector<1x128xf32>
      %select_n3A_959 = arith.select %eq3A_957, %slice3A_958, %select_n3A_954 : vector<1x128xf32>
      %get3A_960 = arith.constant 3 : index
      %get3A_961 = arith.constant 0 : index
      %get3A_962 = vector.load %arg8[%get3A_960, %get3A_961] : memref<8x1xf32, #tpu.memory_space<vmem>>, vector<1x1xf32>
      %get3A_963 = arith.constant 0 : index
      %get3A_964 = arith.constant 0 : index
      %get3A_965 = vector.load %arg15[%get3A_963, %get3A_964] : memref<129x128xf32, #tpu.memory_space<vmem>>, vector<1x128xf32>
      %mul3A_966 = vector.broadcast %get3A_962 : vector<1x1xf32> to vector<1x128xf32>
      %mul3A_967 = arith.mulf %mul3A_966, %get3A_965 : vector<1x128xf32>
      %get3A_968 = arith.constant 1 : index
      %get3A_969 = arith.constant 0 : index
      %get3A_970 = vector.load %arg15[%get3A_968, %get3A_969] : memref<129x128xf32, #tpu.memory_space<vmem>>, vector<128x128xf32>
      %dot_general3A_971 = arith.constant dense<0.000000e+00> : vector<1x128xf32>
      %dot_general3A_972 = tpu.matmul %select_n3A_959, %get3A_970, %dot_general3A_971 {dimension_numbers = #tpu.dot_dimension_numbers<[1], [0], [0], [1], [0, 0, 1, 1], [], []>, transpose_lhs_hint = false} : vector<1x128xf32>, vector<128x128xf32>, vector<1x128xf32> -> vector<1x128xf32>
      %add3A_973 = arith.addf %mul3A_967, %dot_general3A_972 : vector<1x128xf32>
      %get3A_974 = arith.constant 0 : index
      %get3A_975 = arith.constant 0 : index
      %get3A_976 = vector.load %arg16[%get3A_974, %get3A_975] : memref<1x128xf32, #tpu.memory_space<vmem>>, vector<1x128xf32>
      %add3A_977 = arith.addf %add3A_973, %get3A_976 : vector<1x128xf32>
      %swap3A_978 = arith.constant 3 : index
      %swap3A_979 = arith.constant 0 : index
      %swap3A_980 = vector.load %arg28[%swap3A_978, %swap3A_979] : memref<8x128xf32, #tpu.memory_space<vmem>>, vector<1x128xf32>
      tpu.vector_store %arg28[%swap3A_978, %swap3A_979], %add3A_977 {strides = array<i32>} : memref<8x128xf32, #tpu.memory_space<vmem>>, vector<1x128xf32>,
      %slice3A_981 = vector.extract_strided_slice %add3A_772 {offsets = [12, 0], sizes = [1, 128], strides = [1, 1]} : vector<16x128xf32> to vector<1x128xf32>
      %get3A_982 = arith.constant 12 : index
      %get3A_983 = memref.load %arg1[%get3A_982] : memref<16xi32, #tpu.memory_space<smem>>
      %get3A_984 = arith.constant 13 : index
      %get3A_985 = memref.load %arg1[%get3A_984] : memref<16xi32, #tpu.memory_space<smem>>
      %eq3A_986 = arith.cmpi eq, %get3A_985, %get3A_983 : i32
      %slice3A_987 = vector.extract_strided_slice %add3A_772 {offsets = [13, 0], sizes = [1, 128], strides = [1, 1]} : vector<16x128xf32> to vector<1x128xf32>
      %select_n3A_988 = arith.select %eq3A_986, %slice3A_987, %slice3A_981 : vector<1x128xf32>
      %get3A_989 = arith.constant 14 : index
      %get3A_990 = memref.load %arg1[%get3A_989] : memref<16xi32, #tpu.memory_space<smem>>
      %eq3A_991 = arith.cmpi eq, %get3A_990, %get3A_983 : i32
      %slice3A_992 = vector.extract_strided_slice %add3A_772 {offsets = [14, 0], sizes = [1, 128], strides = [1, 1]} : vector<16x128xf32> to vector<1x128xf32>
      %select_n3A_993 = arith.select %eq3A_991, %slice3A_992, %select_n3A_988 : vector<1x128xf32>
      %get3A_994 = arith.constant 15 : index
      %get3A_995 = memref.load %arg1[%get3A_994] : memref<16xi32, #tpu.memory_space<smem>>
      %eq3A_996 = arith.cmpi eq, %get3A_995, %get3A_983 : i32
      %slice3A_997 = vector.extract_strided_slice %add3A_772 {offsets = [15, 0], sizes = [1, 128], strides = [1, 1]} : vector<16x128xf32> to vector<1x128xf32>
      %select_n3A_998 = arith.select %eq3A_996, %slice3A_997, %select_n3A_993 : vector<1x128xf32>
      %get3A_999 = arith.constant 4 : index
      %get3A_1000 = arith.constant 0 : index
      %get3A_1001 = vector.load %arg8[%get3A_999, %get3A_1000] : memref<8x1xf32, #tpu.memory_space<vmem>>, vector<1x1xf32>
      %get3A_1002 = arith.constant 0 : index
      %get3A_1003 = arith.constant 0 : index
      %get3A_1004 = vector.load %arg15[%get3A_1002, %get3A_1003] : memref<129x128xf32, #tpu.memory_space<vmem>>, vector<1x128xf32>
      %mul3A_1005 = vector.broadcast %get3A_1001 : vector<1x1xf32> to vector<1x128xf32>
      %mul3A_1006 = arith.mulf %mul3A_1005, %get3A_1004 : vector<1x128xf32>
      %get3A_1007 = arith.constant 1 : index
      %get3A_1008 = arith.constant 0 : index
      %get3A_1009 = vector.load %arg15[%get3A_1007, %get3A_1008] : memref<129x128xf32, #tpu.memory_space<vmem>>, vector<128x128xf32>
      %dot_general3A_1010 = arith.constant dense<0.000000e+00> : vector<1x128xf32>
      %dot_general3A_1011 = tpu.matmul %select_n3A_998, %get3A_1009, %dot_general3A_1010 {dimension_numbers = #tpu.dot_dimension_numbers<[1], [0], [0], [1], [0, 0, 1, 1], [], []>, transpose_lhs_hint = false} : vector<1x128xf32>, vector<128x128xf32>, vector<1x128xf32> -> vector<1x128xf32>
      %add3A_1012 = arith.addf %mul3A_1006, %dot_general3A_1011 : vector<1x128xf32>
      %get3A_1013 = arith.constant 0 : index
      %get3A_1014 = arith.constant 0 : index
      %get3A_1015 = vector.load %arg16[%get3A_1013, %get3A_1014] : memref<1x128xf32, #tpu.memory_space<vmem>>, vector<1x128xf32>
      %add3A_1016 = arith.addf %add3A_1012, %get3A_1015 : vector<1x128xf32>
      %swap3A_1017 = arith.constant 4 : index
      %swap3A_1018 = arith.constant 0 : index
      %swap3A_1019 = vector.load %arg28[%swap3A_1017, %swap3A_1018] : memref<8x128xf32, #tpu.memory_space<vmem>>, vector<1x128xf32>
      tpu.vector_store %arg28[%swap3A_1017, %swap3A_1018], %add3A_1016 {strides = array<i32>} : memref<8x128xf32, #tpu.memory_space<vmem>>, vector<1x128xf32>,
      %slice3A_1020 = vector.extract_strided_slice %add3A_772 {offsets = [13, 0], sizes = [1, 128], strides = [1, 1]} : vector<16x128xf32> to vector<1x128xf32>
      %get3A_1021 = arith.constant 13 : index
      %get3A_1022 = memref.load %arg1[%get3A_1021] : memref<16xi32, #tpu.memory_space<smem>>
      %get3A_1023 = arith.constant 14 : index
      %get3A_1024 = memref.load %arg1[%get3A_1023] : memref<16xi32, #tpu.memory_space<smem>>
      %eq3A_1025 = arith.cmpi eq, %get3A_1024, %get3A_1022 : i32
      %slice3A_1026 = vector.extract_strided_slice %add3A_772 {offsets = [14, 0], sizes = [1, 128], strides = [1, 1]} : vector<16x128xf32> to vector<1x128xf32>
      %select_n3A_1027 = arith.select %eq3A_1025, %slice3A_1026, %slice3A_1020 : vector<1x128xf32>
      %get3A_1028 = arith.constant 15 : index
      %get3A_1029 = memref.load %arg1[%get3A_1028] : memref<16xi32, #tpu.memory_space<smem>>
      %eq3A_1030 = arith.cmpi eq, %get3A_1029, %get3A_1022 : i32
      %slice3A_1031 = vector.extract_strided_slice %add3A_772 {offsets = [15, 0], sizes = [1, 128], strides = [1, 1]} : vector<16x128xf32> to vector<1x128xf32>
      %select_n3A_1032 = arith.select %eq3A_1030, %slice3A_1031, %select_n3A_1027 : vector<1x128xf32>
      %get3A_1033 = arith.constant 5 : index
      %get3A_1034 = arith.constant 0 : index
      %get3A_1035 = vector.load %arg8[%get3A_1033, %get3A_1034] : memref<8x1xf32, #tpu.memory_space<vmem>>, vector<1x1xf32>
      %get3A_1036 = arith.constant 0 : index
      %get3A_1037 = arith.constant 0 : index
      %get3A_1038 = vector.load %arg15[%get3A_1036, %get3A_1037] : memref<129x128xf32, #tpu.memory_space<vmem>>, vector<1x128xf32>
      %mul3A_1039 = vector.broadcast %get3A_1035 : vector<1x1xf32> to vector<1x128xf32>
      %mul3A_1040 = arith.mulf %mul3A_1039, %get3A_1038 : vector<1x128xf32>
      %get3A_1041 = arith.constant 1 : index
      %get3A_1042 = arith.constant 0 : index
      %get3A_1043 = vector.load %arg15[%get3A_1041, %get3A_1042] : memref<129x128xf32, #tpu.memory_space<vmem>>, vector<128x128xf32>
      %dot_general3A_1044 = arith.constant dense<0.000000e+00> : vector<1x128xf32>
      %dot_general3A_1045 = tpu.matmul %select_n3A_1032, %get3A_1043, %dot_general3A_1044 {dimension_numbers = #tpu.dot_dimension_numbers<[1], [0], [0], [1], [0, 0, 1, 1], [], []>, transpose_lhs_hint = false} : vector<1x128xf32>, vector<128x128xf32>, vector<1x128xf32> -> vector<1x128xf32>
      %add3A_1046 = arith.addf %mul3A_1040, %dot_general3A_1045 : vector<1x128xf32>
      %get3A_1047 = arith.constant 0 : index
      %get3A_1048 = arith.constant 0 : index
      %get3A_1049 = vector.load %arg16[%get3A_1047, %get3A_1048] : memref<1x128xf32, #tpu.memory_space<vmem>>, vector<1x128xf32>
      %add3A_1050 = arith.addf %add3A_1046, %get3A_1049 : vector<1x128xf32>
      %swap3A_1051 = arith.constant 5 : index
      %swap3A_1052 = arith.constant 0 : index
      %swap3A_1053 = vector.load %arg28[%swap3A_1051, %swap3A_1052] : memref<8x128xf32, #tpu.memory_space<vmem>>, vector<1x128xf32>
      tpu.vector_store %arg28[%swap3A_1051, %swap3A_1052], %add3A_1050 {strides = array<i32>} : memref<8x128xf32, #tpu.memory_space<vmem>>, vector<1x128xf32>,
      %slice3A_1054 = vector.extract_strided_slice %add3A_772 {offsets = [14, 0], sizes = [1, 128], strides = [1, 1]} : vector<16x128xf32> to vector<1x128xf32>
      %get3A_1055 = arith.constant 14 : index
      %get3A_1056 = memref.load %arg1[%get3A_1055] : memref<16xi32, #tpu.memory_space<smem>>
      %get3A_1057 = arith.constant 15 : index
      %get3A_1058 = memref.load %arg1[%get3A_1057] : memref<16xi32, #tpu.memory_space<smem>>
      %eq3A_1059 = arith.cmpi eq, %get3A_1058, %get3A_1056 : i32
      %slice3A_1060 = vector.extract_strided_slice %add3A_772 {offsets = [15, 0], sizes = [1, 128], strides = [1, 1]} : vector<16x128xf32> to vector<1x128xf32>
      %select_n3A_1061 = arith.select %eq3A_1059, %slice3A_1060, %slice3A_1054 : vector<1x128xf32>
      %get3A_1062 = arith.constant 6 : index
      %get3A_1063 = arith.constant 0 : index
      %get3A_1064 = vector.load %arg8[%get3A_1062, %get3A_1063] : memref<8x1xf32, #tpu.memory_space<vmem>>, vector<1x1xf32>
      %get3A_1065 = arith.constant 0 : index
      %get3A_1066 = arith.constant 0 : index
      %get3A_1067 = vector.load %arg15[%get3A_1065, %get3A_1066] : memref<129x128xf32, #tpu.memory_space<vmem>>, vector<1x128xf32>
      %mul3A_1068 = vector.broadcast %get3A_1064 : vector<1x1xf32> to vector<1x128xf32>
      %mul3A_1069 = arith.mulf %mul3A_1068, %get3A_1067 : vector<1x128xf32>
      %get3A_1070 = arith.constant 1 : index
      %get3A_1071 = arith.constant 0 : index
      %get3A_1072 = vector.load %arg15[%get3A_1070, %get3A_1071] : memref<129x128xf32, #tpu.memory_space<vmem>>, vector<128x128xf32>
      %dot_general3A_1073 = arith.constant dense<0.000000e+00> : vector<1x128xf32>
      %dot_general3A_1074 = tpu.matmul %select_n3A_1061, %get3A_1072, %dot_general3A_1073 {dimension_numbers = #tpu.dot_dimension_numbers<[1], [0], [0], [1], [0, 0, 1, 1], [], []>, transpose_lhs_hint = false} : vector<1x128xf32>, vector<128x128xf32>, vector<1x128xf32> -> vector<1x128xf32>
      %add3A_1075 = arith.addf %mul3A_1069, %dot_general3A_1074 : vector<1x128xf32>
      %get3A_1076 = arith.constant 0 : index
      %get3A_1077 = arith.constant 0 : index
      %get3A_1078 = vector.load %arg16[%get3A_1076, %get3A_1077] : memref<1x128xf32, #tpu.memory_space<vmem>>, vector<1x128xf32>
      %add3A_1079 = arith.addf %add3A_1075, %get3A_1078 : vector<1x128xf32>
      %swap3A_1080 = arith.constant 6 : index
      %swap3A_1081 = arith.constant 0 : index
      %swap3A_1082 = vector.load %arg28[%swap3A_1080, %swap3A_1081] : memref<8x128xf32, #tpu.memory_space<vmem>>, vector<1x128xf32>
      tpu.vector_store %arg28[%swap3A_1080, %swap3A_1081], %add3A_1079 {strides = array<i32>} : memref<8x128xf32, #tpu.memory_space<vmem>>, vector<1x128xf32>,
      %slice3A_1083 = vector.extract_strided_slice %add3A_772 {offsets = [15, 0], sizes = [1, 128], strides = [1, 1]} : vector<16x128xf32> to vector<1x128xf32>
      %get3A_1084 = arith.constant 7 : index
      %get3A_1085 = arith.constant 0 : index
      %get3A_1086 = vector.load %arg8[%get3A_1084, %get3A_1085] : memref<8x1xf32, #tpu.memory_space<vmem>>, vector<1x1xf32>
      %get3A_1087 = arith.constant 0 : index
      %get3A_1088 = arith.constant 0 : index
      %get3A_1089 = vector.load %arg15[%get3A_1087, %get3A_1088] : memref<129x128xf32, #tpu.memory_space<vmem>>, vector<1x128xf32>
      %mul3A_1090 = vector.broadcast %get3A_1086 : vector<1x1xf32> to vector<1x128xf32>
      %mul3A_1091 = arith.mulf %mul3A_1090, %get3A_1089 : vector<1x128xf32>
      %get3A_1092 = arith.constant 1 : index
      %get3A_1093 = arith.constant 0 : index
      %get3A_1094 = vector.load %arg15[%get3A_1092, %get3A_1093] : memref<129x128xf32, #tpu.memory_space<vmem>>, vector<128x128xf32>
      %dot_general3A_1095 = arith.constant dense<0.000000e+00> : vector<1x128xf32>
      %dot_general3A_1096 = tpu.matmul %slice3A_1083, %get3A_1094, %dot_general3A_1095 {dimension_numbers = #tpu.dot_dimension_numbers<[1], [0], [0], [1], [0, 0, 1, 1], [], []>, transpose_lhs_hint = false} : vector<1x128xf32>, vector<128x128xf32>, vector<1x128xf32> -> vector<1x128xf32>
      %add3A_1097 = arith.addf %mul3A_1091, %dot_general3A_1096 : vector<1x128xf32>
      %get3A_1098 = arith.constant 0 : index
      %get3A_1099 = arith.constant 0 : index
      %get3A_1100 = vector.load %arg16[%get3A_1098, %get3A_1099] : memref<1x128xf32, #tpu.memory_space<vmem>>, vector<1x128xf32>
      %add3A_1101 = arith.addf %add3A_1097, %get3A_1100 : vector<1x128xf32>
      %swap3A_1102 = arith.constant 7 : index
      %swap3A_1103 = arith.constant 0 : index
      %swap3A_1104 = vector.load %arg28[%swap3A_1102, %swap3A_1103] : memref<8x128xf32, #tpu.memory_space<vmem>>, vector<1x128xf32>
      tpu.vector_store %arg28[%swap3A_1102, %swap3A_1103], %add3A_1101 {strides = array<i32>} : memref<8x128xf32, #tpu.memory_space<vmem>>, vector<1x128xf32>,
    } else {
    }
    %get3A = arith.constant 0 : index
    %get3A_3 = arith.constant 0 : index
    %get3A_4 = vector.load %arg2[%get3A, %get3A_3] : memref<2000x128xf32, #tpu.memory_space<vmem>>, vector<2000x128xf32>
    %swap3A = arith.constant 0 : index
    %swap3A_5 = arith.constant 0 : index
    %swap3A_6 = vector.load %arg24[%swap3A, %swap3A_5] : memref<2000x128xf32, #tpu.memory_space<vmem>>, vector<2000x128xf32>
    tpu.vector_store %arg24[%swap3A, %swap3A_5], %get3A_4 {strides = array<i32>} : memref<2000x128xf32, #tpu.memory_space<vmem>>, vector<2000x128xf32>,
    %get3A_7 = arith.constant 0 : index
    %get3A_8 = memref.load %arg1[%get3A_7] : memref<16xi32, #tpu.memory_space<smem>>
    %sub3A = arith.subi %get3A_8, %mul3A_0 : i32
    %ge3A = arith.constant 0 : i32
    %ge3A_9 = arith.cmpi sge, %sub3A, %ge3A : i32
    %lt3A = arith.constant 2000 : i32
    %lt3A_10 = arith.cmpi slt, %sub3A, %lt3A : i32
    %and3A = arith.andi %ge3A_9, %lt3A_10 : i1
    %jit3A = arith.constant 0 : i32
    %jit3A_11 = arith.constant 1999 : i32
    %max3A = arith.maxsi %jit3A, %sub3A : i32
    %min3A = arith.minsi %jit3A_11, %max3A : i32
    %convert_element_type3A_12 = arith.extui %and3A : i1 to i32
    %cond3A_13 = arith.constant 0 : i32
    %cond3A_14 = arith.cmpi ne, %convert_element_type3A_12, %cond3A_13 : i32
    scf.if %cond3A_14 {
      %get3A_710 = arith.constant 0 : index
      %get3A_711 = arith.constant 0 : index
      %get3A_712 = vector.load %arg27[%get3A_710, %get3A_711] : memref<16x128xf32, #tpu.memory_space<vmem>>, vector<1x128xf32>
      %swap3A_713 = arith.index_cast %min3A : i32 to index
      %swap3A_714 = arith.constant 0 : index
      %swap3A_715 = vector.load %arg24[%swap3A_713, %swap3A_714] : memref<2000x128xf32, #tpu.memory_space<vmem>>, vector<1x128xf32>
      tpu.vector_store %arg24[%swap3A_713, %swap3A_714], %get3A_712 {strides = array<i32>} : memref<2000x128xf32, #tpu.memory_space<vmem>>, vector<1x128xf32>,
    } else {
    }
    %get3A_15 = arith.constant 1 : index
    %get3A_16 = memref.load %arg1[%get3A_15] : memref<16xi32, #tpu.memory_space<smem>>
    %sub3A_17 = arith.subi %get3A_16, %mul3A_0 : i32
    %ge3A_18 = arith.constant 0 : i32
    %ge3A_19 = arith.cmpi sge, %sub3A_17, %ge3A_18 : i32
    %lt3A_20 = arith.constant 2000 : i32
    %lt3A_21 = arith.cmpi slt, %sub3A_17, %lt3A_20 : i32
    %and3A_22 = arith.andi %ge3A_19, %lt3A_21 : i1
    %jit3A_23 = arith.constant 0 : i32
    %jit3A_24 = arith.constant 1999 : i32
    %max3A_25 = arith.maxsi %jit3A_23, %sub3A_17 : i32
    %min3A_26 = arith.minsi %jit3A_24, %max3A_25 : i32
    %convert_element_type3A_27 = arith.extui %and3A_22 : i1 to i32
    %cond3A_28 = arith.constant 0 : i32
    %cond3A_29 = arith.cmpi ne, %convert_element_type3A_27, %cond3A_28 : i32
    scf.if %cond3A_29 {
      %get3A_710 = arith.constant 1 : index
      %get3A_711 = arith.constant 0 : index
      %get3A_712 = vector.load %arg27[%get3A_710, %get3A_711] : memref<16x128xf32, #tpu.memory_space<vmem>>, vector<1x128xf32>
      %swap3A_713 = arith.index_cast %min3A_26 : i32 to index
      %swap3A_714 = arith.constant 0 : index
      %swap3A_715 = vector.load %arg24[%swap3A_713, %swap3A_714] : memref<2000x128xf32, #tpu.memory_space<vmem>>, vector<1x128xf32>
      tpu.vector_store %arg24[%swap3A_713, %swap3A_714], %get3A_712 {strides = array<i32>} : memref<2000x128xf32, #tpu.memory_space<vmem>>, vector<1x128xf32>,
    } else {
    }
    %get3A_30 = arith.constant 2 : index
    %get3A_31 = memref.load %arg1[%get3A_30] : memref<16xi32, #tpu.memory_space<smem>>
    %sub3A_32 = arith.subi %get3A_31, %mul3A_0 : i32
    %ge3A_33 = arith.constant 0 : i32
    %ge3A_34 = arith.cmpi sge, %sub3A_32, %ge3A_33 : i32
    %lt3A_35 = arith.constant 2000 : i32
    %lt3A_36 = arith.cmpi slt, %sub3A_32, %lt3A_35 : i32
    %and3A_37 = arith.andi %ge3A_34, %lt3A_36 : i1
    %jit3A_38 = arith.constant 0 : i32
    %jit3A_39 = arith.constant 1999 : i32
    %max3A_40 = arith.maxsi %jit3A_38, %sub3A_32 : i32
    %min3A_41 = arith.minsi %jit3A_39, %max3A_40 : i32
    %convert_element_type3A_42 = arith.extui %and3A_37 : i1 to i32
    %cond3A_43 = arith.constant 0 : i32
    %cond3A_44 = arith.cmpi ne, %convert_element_type3A_42, %cond3A_43 : i32
    scf.if %cond3A_44 {
      %get3A_710 = arith.constant 2 : index
      %get3A_711 = arith.constant 0 : index
      %get3A_712 = vector.load %arg27[%get3A_710, %get3A_711] : memref<16x128xf32, #tpu.memory_space<vmem>>, vector<1x128xf32>
      %swap3A_713 = arith.index_cast %min3A_41 : i32 to index
      %swap3A_714 = arith.constant 0 : index
      %swap3A_715 = vector.load %arg24[%swap3A_713, %swap3A_714] : memref<2000x128xf32, #tpu.memory_space<vmem>>, vector<1x128xf32>
      tpu.vector_store %arg24[%swap3A_713, %swap3A_714], %get3A_712 {strides = array<i32>} : memref<2000x128xf32, #tpu.memory_space<vmem>>, vector<1x128xf32>,
    } else {
    }
    %get3A_45 = arith.constant 3 : index
    %get3A_46 = memref.load %arg1[%get3A_45] : memref<16xi32, #tpu.memory_space<smem>>
    %sub3A_47 = arith.subi %get3A_46, %mul3A_0 : i32
    %ge3A_48 = arith.constant 0 : i32
    %ge3A_49 = arith.cmpi sge, %sub3A_47, %ge3A_48 : i32
    %lt3A_50 = arith.constant 2000 : i32
    %lt3A_51 = arith.cmpi slt, %sub3A_47, %lt3A_50 : i32
    %and3A_52 = arith.andi %ge3A_49, %lt3A_51 : i1
    %jit3A_53 = arith.constant 0 : i32
    %jit3A_54 = arith.constant 1999 : i32
    %max3A_55 = arith.maxsi %jit3A_53, %sub3A_47 : i32
    %min3A_56 = arith.minsi %jit3A_54, %max3A_55 : i32
    %convert_element_type3A_57 = arith.extui %and3A_52 : i1 to i32
    %cond3A_58 = arith.constant 0 : i32
    %cond3A_59 = arith.cmpi ne, %convert_element_type3A_57, %cond3A_58 : i32
    scf.if %cond3A_59 {
      %get3A_710 = arith.constant 3 : index
      %get3A_711 = arith.constant 0 : index
      %get3A_712 = vector.load %arg27[%get3A_710, %get3A_711] : memref<16x128xf32, #tpu.memory_space<vmem>>, vector<1x128xf32>
      %swap3A_713 = arith.index_cast %min3A_56 : i32 to index
      %swap3A_714 = arith.constant 0 : index
      %swap3A_715 = vector.load %arg24[%swap3A_713, %swap3A_714] : memref<2000x128xf32, #tpu.memory_space<vmem>>, vector<1x128xf32>
      tpu.vector_store %arg24[%swap3A_713, %swap3A_714], %get3A_712 {strides = array<i32>} : memref<2000x128xf32, #tpu.memory_space<vmem>>, vector<1x128xf32>,
    } else {
    }
    %get3A_60 = arith.constant 4 : index
    %get3A_61 = memref.load %arg1[%get3A_60] : memref<16xi32, #tpu.memory_space<smem>>
    %sub3A_62 = arith.subi %get3A_61, %mul3A_0 : i32
    %ge3A_63 = arith.constant 0 : i32
    %ge3A_64 = arith.cmpi sge, %sub3A_62, %ge3A_63 : i32
    %lt3A_65 = arith.constant 2000 : i32
    %lt3A_66 = arith.cmpi slt, %sub3A_62, %lt3A_65 : i32
    %and3A_67 = arith.andi %ge3A_64, %lt3A_66 : i1
    %jit3A_68 = arith.constant 0 : i32
    %jit3A_69 = arith.constant 1999 : i32
    %max3A_70 = arith.maxsi %jit3A_68, %sub3A_62 : i32
    %min3A_71 = arith.minsi %jit3A_69, %max3A_70 : i32
    %convert_element_type3A_72 = arith.extui %and3A_67 : i1 to i32
    %cond3A_73 = arith.constant 0 : i32
    %cond3A_74 = arith.cmpi ne, %convert_element_type3A_72, %cond3A_73 : i32
    scf.if %cond3A_74 {
      %get3A_710 = arith.constant 4 : index
      %get3A_711 = arith.constant 0 : index
      %get3A_712 = vector.load %arg27[%get3A_710, %get3A_711] : memref<16x128xf32, #tpu.memory_space<vmem>>, vector<1x128xf32>
      %swap3A_713 = arith.index_cast %min3A_71 : i32 to index
      %swap3A_714 = arith.constant 0 : index
      %swap3A_715 = vector.load %arg24[%swap3A_713, %swap3A_714] : memref<2000x128xf32, #tpu.memory_space<vmem>>, vector<1x128xf32>
      tpu.vector_store %arg24[%swap3A_713, %swap3A_714], %get3A_712 {strides = array<i32>} : memref<2000x128xf32, #tpu.memory_space<vmem>>, vector<1x128xf32>,
    } else {
    }
    %get3A_75 = arith.constant 5 : index
    %get3A_76 = memref.load %arg1[%get3A_75] : memref<16xi32, #tpu.memory_space<smem>>
    %sub3A_77 = arith.subi %get3A_76, %mul3A_0 : i32
    %ge3A_78 = arith.constant 0 : i32
    %ge3A_79 = arith.cmpi sge, %sub3A_77, %ge3A_78 : i32
    %lt3A_80 = arith.constant 2000 : i32
    %lt3A_81 = arith.cmpi slt, %sub3A_77, %lt3A_80 : i32
    %and3A_82 = arith.andi %ge3A_79, %lt3A_81 : i1
    %jit3A_83 = arith.constant 0 : i32
    %jit3A_84 = arith.constant 1999 : i32
    %max3A_85 = arith.maxsi %jit3A_83, %sub3A_77 : i32
    %min3A_86 = arith.minsi %jit3A_84, %max3A_85 : i32
    %convert_element_type3A_87 = arith.extui %and3A_82 : i1 to i32
    %cond3A_88 = arith.constant 0 : i32
    %cond3A_89 = arith.cmpi ne, %convert_element_type3A_87, %cond3A_88 : i32
    scf.if %cond3A_89 {
      %get3A_710 = arith.constant 5 : index
      %get3A_711 = arith.constant 0 : index
      %get3A_712 = vector.load %arg27[%get3A_710, %get3A_711] : memref<16x128xf32, #tpu.memory_space<vmem>>, vector<1x128xf32>
      %swap3A_713 = arith.index_cast %min3A_86 : i32 to index
      %swap3A_714 = arith.constant 0 : index
      %swap3A_715 = vector.load %arg24[%swap3A_713, %swap3A_714] : memref<2000x128xf32, #tpu.memory_space<vmem>>, vector<1x128xf32>
      tpu.vector_store %arg24[%swap3A_713, %swap3A_714], %get3A_712 {strides = array<i32>} : memref<2000x128xf32, #tpu.memory_space<vmem>>, vector<1x128xf32>,
    } else {
    }
    %get3A_90 = arith.constant 6 : index
    %get3A_91 = memref.load %arg1[%get3A_90] : memref<16xi32, #tpu.memory_space<smem>>
    %sub3A_92 = arith.subi %get3A_91, %mul3A_0 : i32
    %ge3A_93 = arith.constant 0 : i32
    %ge3A_94 = arith.cmpi sge, %sub3A_92, %ge3A_93 : i32
    %lt3A_95 = arith.constant 2000 : i32
    %lt3A_96 = arith.cmpi slt, %sub3A_92, %lt3A_95 : i32
    %and3A_97 = arith.andi %ge3A_94, %lt3A_96 : i1
    %jit3A_98 = arith.constant 0 : i32
    %jit3A_99 = arith.constant 1999 : i32
    %max3A_100 = arith.maxsi %jit3A_98, %sub3A_92 : i32
    %min3A_101 = arith.minsi %jit3A_99, %max3A_100 : i32
    %convert_element_type3A_102 = arith.extui %and3A_97 : i1 to i32
    %cond3A_103 = arith.constant 0 : i32
    %cond3A_104 = arith.cmpi ne, %convert_element_type3A_102, %cond3A_103 : i32
    scf.if %cond3A_104 {
      %get3A_710 = arith.constant 6 : index
      %get3A_711 = arith.constant 0 : index
      %get3A_712 = vector.load %arg27[%get3A_710, %get3A_711] : memref<16x128xf32, #tpu.memory_space<vmem>>, vector<1x128xf32>
      %swap3A_713 = arith.index_cast %min3A_101 : i32 to index
      %swap3A_714 = arith.constant 0 : index
      %swap3A_715 = vector.load %arg24[%swap3A_713, %swap3A_714] : memref<2000x128xf32, #tpu.memory_space<vmem>>, vector<1x128xf32>
      tpu.vector_store %arg24[%swap3A_713, %swap3A_714], %get3A_712 {strides = array<i32>} : memref<2000x128xf32, #tpu.memory_space<vmem>>, vector<1x128xf32>,
    } else {
    }
    %get3A_105 = arith.constant 7 : index
    %get3A_106 = memref.load %arg1[%get3A_105] : memref<16xi32, #tpu.memory_space<smem>>
    %sub3A_107 = arith.subi %get3A_106, %mul3A_0 : i32
    %ge3A_108 = arith.constant 0 : i32
    %ge3A_109 = arith.cmpi sge, %sub3A_107, %ge3A_108 : i32
    %lt3A_110 = arith.constant 2000 : i32
    %lt3A_111 = arith.cmpi slt, %sub3A_107, %lt3A_110 : i32
    %and3A_112 = arith.andi %ge3A_109, %lt3A_111 : i1
    %jit3A_113 = arith.constant 0 : i32
    %jit3A_114 = arith.constant 1999 : i32
    %max3A_115 = arith.maxsi %jit3A_113, %sub3A_107 : i32
    %min3A_116 = arith.minsi %jit3A_114, %max3A_115 : i32
    %convert_element_type3A_117 = arith.extui %and3A_112 : i1 to i32
    %cond3A_118 = arith.constant 0 : i32
    %cond3A_119 = arith.cmpi ne, %convert_element_type3A_117, %cond3A_118 : i32
    scf.if %cond3A_119 {
      %get3A_710 = arith.constant 7 : index
      %get3A_711 = arith.constant 0 : index
      %get3A_712 = vector.load %arg27[%get3A_710, %get3A_711] : memref<16x128xf32, #tpu.memory_space<vmem>>, vector<1x128xf32>
      %swap3A_713 = arith.index_cast %min3A_116 : i32 to index
      %swap3A_714 = arith.constant 0 : index
      %swap3A_715 = vector.load %arg24[%swap3A_713, %swap3A_714] : memref<2000x128xf32, #tpu.memory_space<vmem>>, vector<1x128xf32>
      tpu.vector_store %arg24[%swap3A_713, %swap3A_714], %get3A_712 {strides = array<i32>} : memref<2000x128xf32, #tpu.memory_space<vmem>>, vector<1x128xf32>,
    } else {
    }
    %get3A_120 = arith.constant 8 : index
    %get3A_121 = memref.load %arg1[%get3A_120] : memref<16xi32, #tpu.memory_space<smem>>
    %sub3A_122 = arith.subi %get3A_121, %mul3A_0 : i32
    %ge3A_123 = arith.constant 0 : i32
    %ge3A_124 = arith.cmpi sge, %sub3A_122, %ge3A_123 : i32
    %lt3A_125 = arith.constant 2000 : i32
    %lt3A_126 = arith.cmpi slt, %sub3A_122, %lt3A_125 : i32
    %and3A_127 = arith.andi %ge3A_124, %lt3A_126 : i1
    %jit3A_128 = arith.constant 0 : i32
    %jit3A_129 = arith.constant 1999 : i32
    %max3A_130 = arith.maxsi %jit3A_128, %sub3A_122 : i32
    %min3A_131 = arith.minsi %jit3A_129, %max3A_130 : i32
    %convert_element_type3A_132 = arith.extui %and3A_127 : i1 to i32
    %cond3A_133 = arith.constant 0 : i32
    %cond3A_134 = arith.cmpi ne, %convert_element_type3A_132, %cond3A_133 : i32
    scf.if %cond3A_134 {
      %get3A_710 = arith.constant 8 : index
      %get3A_711 = arith.constant 0 : index
      %get3A_712 = vector.load %arg27[%get3A_710, %get3A_711] : memref<16x128xf32, #tpu.memory_space<vmem>>, vector<1x128xf32>
      %swap3A_713 = arith.index_cast %min3A_131 : i32 to index
      %swap3A_714 = arith.constant 0 : index
      %swap3A_715 = vector.load %arg24[%swap3A_713, %swap3A_714] : memref<2000x128xf32, #tpu.memory_space<vmem>>, vector<1x128xf32>
      tpu.vector_store %arg24[%swap3A_713, %swap3A_714], %get3A_712 {strides = array<i32>} : memref<2000x128xf32, #tpu.memory_space<vmem>>, vector<1x128xf32>,
    } else {
    }
    %get3A_135 = arith.constant 9 : index
    %get3A_136 = memref.load %arg1[%get3A_135] : memref<16xi32, #tpu.memory_space<smem>>
    %sub3A_137 = arith.subi %get3A_136, %mul3A_0 : i32
    %ge3A_138 = arith.constant 0 : i32
    %ge3A_139 = arith.cmpi sge, %sub3A_137, %ge3A_138 : i32
    %lt3A_140 = arith.constant 2000 : i32
    %lt3A_141 = arith.cmpi slt, %sub3A_137, %lt3A_140 : i32
    %and3A_142 = arith.andi %ge3A_139, %lt3A_141 : i1
    %jit3A_143 = arith.constant 0 : i32
    %jit3A_144 = arith.constant 1999 : i32
    %max3A_145 = arith.maxsi %jit3A_143, %sub3A_137 : i32
    %min3A_146 = arith.minsi %jit3A_144, %max3A_145 : i32
    %convert_element_type3A_147 = arith.extui %and3A_142 : i1 to i32
    %cond3A_148 = arith.constant 0 : i32
    %cond3A_149 = arith.cmpi ne, %convert_element_type3A_147, %cond3A_148 : i32
    scf.if %cond3A_149 {
      %get3A_710 = arith.constant 9 : index
      %get3A_711 = arith.constant 0 : index
      %get3A_712 = vector.load %arg27[%get3A_710, %get3A_711] : memref<16x128xf32, #tpu.memory_space<vmem>>, vector<1x128xf32>
      %swap3A_713 = arith.index_cast %min3A_146 : i32 to index
      %swap3A_714 = arith.constant 0 : index
      %swap3A_715 = vector.load %arg24[%swap3A_713, %swap3A_714] : memref<2000x128xf32, #tpu.memory_space<vmem>>, vector<1x128xf32>
      tpu.vector_store %arg24[%swap3A_713, %swap3A_714], %get3A_712 {strides = array<i32>} : memref<2000x128xf32, #tpu.memory_space<vmem>>, vector<1x128xf32>,
    } else {
    }
    %get3A_150 = arith.constant 10 : index
    %get3A_151 = memref.load %arg1[%get3A_150] : memref<16xi32, #tpu.memory_space<smem>>
    %sub3A_152 = arith.subi %get3A_151, %mul3A_0 : i32
    %ge3A_153 = arith.constant 0 : i32
    %ge3A_154 = arith.cmpi sge, %sub3A_152, %ge3A_153 : i32
    %lt3A_155 = arith.constant 2000 : i32
    %lt3A_156 = arith.cmpi slt, %sub3A_152, %lt3A_155 : i32
    %and3A_157 = arith.andi %ge3A_154, %lt3A_156 : i1
    %jit3A_158 = arith.constant 0 : i32
    %jit3A_159 = arith.constant 1999 : i32
    %max3A_160 = arith.maxsi %jit3A_158, %sub3A_152 : i32
    %min3A_161 = arith.minsi %jit3A_159, %max3A_160 : i32
    %convert_element_type3A_162 = arith.extui %and3A_157 : i1 to i32
    %cond3A_163 = arith.constant 0 : i32
    %cond3A_164 = arith.cmpi ne, %convert_element_type3A_162, %cond3A_163 : i32
    scf.if %cond3A_164 {
      %get3A_710 = arith.constant 10 : index
      %get3A_711 = arith.constant 0 : index
      %get3A_712 = vector.load %arg27[%get3A_710, %get3A_711] : memref<16x128xf32, #tpu.memory_space<vmem>>, vector<1x128xf32>
      %swap3A_713 = arith.index_cast %min3A_161 : i32 to index
      %swap3A_714 = arith.constant 0 : index
      %swap3A_715 = vector.load %arg24[%swap3A_713, %swap3A_714] : memref<2000x128xf32, #tpu.memory_space<vmem>>, vector<1x128xf32>
      tpu.vector_store %arg24[%swap3A_713, %swap3A_714], %get3A_712 {strides = array<i32>} : memref<2000x128xf32, #tpu.memory_space<vmem>>, vector<1x128xf32>,
    } else {
    }
    %get3A_165 = arith.constant 11 : index
    %get3A_166 = memref.load %arg1[%get3A_165] : memref<16xi32, #tpu.memory_space<smem>>
    %sub3A_167 = arith.subi %get3A_166, %mul3A_0 : i32
    %ge3A_168 = arith.constant 0 : i32
    %ge3A_169 = arith.cmpi sge, %sub3A_167, %ge3A_168 : i32
    %lt3A_170 = arith.constant 2000 : i32
    %lt3A_171 = arith.cmpi slt, %sub3A_167, %lt3A_170 : i32
    %and3A_172 = arith.andi %ge3A_169, %lt3A_171 : i1
    %jit3A_173 = arith.constant 0 : i32
    %jit3A_174 = arith.constant 1999 : i32
    %max3A_175 = arith.maxsi %jit3A_173, %sub3A_167 : i32
    %min3A_176 = arith.minsi %jit3A_174, %max3A_175 : i32
    %convert_element_type3A_177 = arith.extui %and3A_172 : i1 to i32
    %cond3A_178 = arith.constant 0 : i32
    %cond3A_179 = arith.cmpi ne, %convert_element_type3A_177, %cond3A_178 : i32
    scf.if %cond3A_179 {
      %get3A_710 = arith.constant 11 : index
      %get3A_711 = arith.constant 0 : index
      %get3A_712 = vector.load %arg27[%get3A_710, %get3A_711] : memref<16x128xf32, #tpu.memory_space<vmem>>, vector<1x128xf32>
      %swap3A_713 = arith.index_cast %min3A_176 : i32 to index
      %swap3A_714 = arith.constant 0 : index
      %swap3A_715 = vector.load %arg24[%swap3A_713, %swap3A_714] : memref<2000x128xf32, #tpu.memory_space<vmem>>, vector<1x128xf32>
      tpu.vector_store %arg24[%swap3A_713, %swap3A_714], %get3A_712 {strides = array<i32>} : memref<2000x128xf32, #tpu.memory_space<vmem>>, vector<1x128xf32>,
    } else {
    }
    %get3A_180 = arith.constant 12 : index
    %get3A_181 = memref.load %arg1[%get3A_180] : memref<16xi32, #tpu.memory_space<smem>>
    %sub3A_182 = arith.subi %get3A_181, %mul3A_0 : i32
    %ge3A_183 = arith.constant 0 : i32
    %ge3A_184 = arith.cmpi sge, %sub3A_182, %ge3A_183 : i32
    %lt3A_185 = arith.constant 2000 : i32
    %lt3A_186 = arith.cmpi slt, %sub3A_182, %lt3A_185 : i32
    %and3A_187 = arith.andi %ge3A_184, %lt3A_186 : i1
    %jit3A_188 = arith.constant 0 : i32
    %jit3A_189 = arith.constant 1999 : i32
    %max3A_190 = arith.maxsi %jit3A_188, %sub3A_182 : i32
    %min3A_191 = arith.minsi %jit3A_189, %max3A_190 : i32
    %convert_element_type3A_192 = arith.extui %and3A_187 : i1 to i32
    %cond3A_193 = arith.constant 0 : i32
    %cond3A_194 = arith.cmpi ne, %convert_element_type3A_192, %cond3A_193 : i32
    scf.if %cond3A_194 {
      %get3A_710 = arith.constant 12 : index
      %get3A_711 = arith.constant 0 : index
      %get3A_712 = vector.load %arg27[%get3A_710, %get3A_711] : memref<16x128xf32, #tpu.memory_space<vmem>>, vector<1x128xf32>
      %swap3A_713 = arith.index_cast %min3A_191 : i32 to index
      %swap3A_714 = arith.constant 0 : index
      %swap3A_715 = vector.load %arg24[%swap3A_713, %swap3A_714] : memref<2000x128xf32, #tpu.memory_space<vmem>>, vector<1x128xf32>
      tpu.vector_store %arg24[%swap3A_713, %swap3A_714], %get3A_712 {strides = array<i32>} : memref<2000x128xf32, #tpu.memory_space<vmem>>, vector<1x128xf32>,
    } else {
    }
    %get3A_195 = arith.constant 13 : index
    %get3A_196 = memref.load %arg1[%get3A_195] : memref<16xi32, #tpu.memory_space<smem>>
    %sub3A_197 = arith.subi %get3A_196, %mul3A_0 : i32
    %ge3A_198 = arith.constant 0 : i32
    %ge3A_199 = arith.cmpi sge, %sub3A_197, %ge3A_198 : i32
    %lt3A_200 = arith.constant 2000 : i32
    %lt3A_201 = arith.cmpi slt, %sub3A_197, %lt3A_200 : i32
    %and3A_202 = arith.andi %ge3A_199, %lt3A_201 : i1
    %jit3A_203 = arith.constant 0 : i32
    %jit3A_204 = arith.constant 1999 : i32
    %max3A_205 = arith.maxsi %jit3A_203, %sub3A_197 : i32
    %min3A_206 = arith.minsi %jit3A_204, %max3A_205 : i32
    %convert_element_type3A_207 = arith.extui %and3A_202 : i1 to i32
    %cond3A_208 = arith.constant 0 : i32
    %cond3A_209 = arith.cmpi ne, %convert_element_type3A_207, %cond3A_208 : i32
    scf.if %cond3A_209 {
      %get3A_710 = arith.constant 13 : index
      %get3A_711 = arith.constant 0 : index
      %get3A_712 = vector.load %arg27[%get3A_710, %get3A_711] : memref<16x128xf32, #tpu.memory_space<vmem>>, vector<1x128xf32>
      %swap3A_713 = arith.index_cast %min3A_206 : i32 to index
      %swap3A_714 = arith.constant 0 : index
      %swap3A_715 = vector.load %arg24[%swap3A_713, %swap3A_714] : memref<2000x128xf32, #tpu.memory_space<vmem>>, vector<1x128xf32>
      tpu.vector_store %arg24[%swap3A_713, %swap3A_714], %get3A_712 {strides = array<i32>} : memref<2000x128xf32, #tpu.memory_space<vmem>>, vector<1x128xf32>,
    } else {
    }
    %get3A_210 = arith.constant 14 : index
    %get3A_211 = memref.load %arg1[%get3A_210] : memref<16xi32, #tpu.memory_space<smem>>
    %sub3A_212 = arith.subi %get3A_211, %mul3A_0 : i32
    %ge3A_213 = arith.constant 0 : i32
    %ge3A_214 = arith.cmpi sge, %sub3A_212, %ge3A_213 : i32
    %lt3A_215 = arith.constant 2000 : i32
    %lt3A_216 = arith.cmpi slt, %sub3A_212, %lt3A_215 : i32
    %and3A_217 = arith.andi %ge3A_214, %lt3A_216 : i1
    %jit3A_218 = arith.constant 0 : i32
    %jit3A_219 = arith.constant 1999 : i32
    %max3A_220 = arith.maxsi %jit3A_218, %sub3A_212 : i32
    %min3A_221 = arith.minsi %jit3A_219, %max3A_220 : i32
    %convert_element_type3A_222 = arith.extui %and3A_217 : i1 to i32
    %cond3A_223 = arith.constant 0 : i32
    %cond3A_224 = arith.cmpi ne, %convert_element_type3A_222, %cond3A_223 : i32
    scf.if %cond3A_224 {
      %get3A_710 = arith.constant 14 : index
      %get3A_711 = arith.constant 0 : index
      %get3A_712 = vector.load %arg27[%get3A_710, %get3A_711] : memref<16x128xf32, #tpu.memory_space<vmem>>, vector<1x128xf32>
      %swap3A_713 = arith.index_cast %min3A_221 : i32 to index
      %swap3A_714 = arith.constant 0 : index
      %swap3A_715 = vector.load %arg24[%swap3A_713, %swap3A_714] : memref<2000x128xf32, #tpu.memory_space<vmem>>, vector<1x128xf32>
      tpu.vector_store %arg24[%swap3A_713, %swap3A_714], %get3A_712 {strides = array<i32>} : memref<2000x128xf32, #tpu.memory_space<vmem>>, vector<1x128xf32>,
    } else {
    }
    %get3A_225 = arith.constant 15 : index
    %get3A_226 = memref.load %arg1[%get3A_225] : memref<16xi32, #tpu.memory_space<smem>>
    %sub3A_227 = arith.subi %get3A_226, %mul3A_0 : i32
    %ge3A_228 = arith.constant 0 : i32
    %ge3A_229 = arith.cmpi sge, %sub3A_227, %ge3A_228 : i32
    %lt3A_230 = arith.constant 2000 : i32
    %lt3A_231 = arith.cmpi slt, %sub3A_227, %lt3A_230 : i32
    %and3A_232 = arith.andi %ge3A_229, %lt3A_231 : i1
    %jit3A_233 = arith.constant 0 : i32
    %jit3A_234 = arith.constant 1999 : i32
    %max3A_235 = arith.maxsi %jit3A_233, %sub3A_227 : i32
    %min3A_236 = arith.minsi %jit3A_234, %max3A_235 : i32
    %convert_element_type3A_237 = arith.extui %and3A_232 : i1 to i32
    %cond3A_238 = arith.constant 0 : i32
    %cond3A_239 = arith.cmpi ne, %convert_element_type3A_237, %cond3A_238 : i32
    scf.if %cond3A_239 {
      %get3A_710 = arith.constant 15 : index
      %get3A_711 = arith.constant 0 : index
      %get3A_712 = vector.load %arg27[%get3A_710, %get3A_711] : memref<16x128xf32, #tpu.memory_space<vmem>>, vector<1x128xf32>
      %swap3A_713 = arith.index_cast %min3A_236 : i32 to index
      %swap3A_714 = arith.constant 0 : index
      %swap3A_715 = vector.load %arg24[%swap3A_713, %swap3A_714] : memref<2000x128xf32, #tpu.memory_space<vmem>>, vector<1x128xf32>
      tpu.vector_store %arg24[%swap3A_713, %swap3A_714], %get3A_712 {strides = array<i32>} : memref<2000x128xf32, #tpu.memory_space<vmem>>, vector<1x128xf32>,
    } else {
    }
    %get3A_240 = arith.constant 0 : index
    %get3A_241 = arith.constant 0 : index
    %get3A_242 = vector.load %arg24[%get3A_240, %get3A_241] : memref<2000x128xf32, #tpu.memory_space<vmem>>, vector<2000x128xf32>
    %get3A_243 = arith.constant 0 : index
    %get3A_244 = arith.constant 0 : index
    %get3A_245 = vector.load %arg3[%get3A_243, %get3A_244] : memref<2000x1xf32, #tpu.memory_space<vmem>>, vector<2000x1xf32>
    %get3A_246 = arith.constant 0 : index
    %get3A_247 = arith.constant 0 : index
    %get3A_248 = vector.load %arg17[%get3A_246, %get3A_247] : memref<1x128xf32, #tpu.memory_space<vmem>>, vector<1x128xf32>
    %mul3A_249 = vector.broadcast %get3A_245 : vector<2000x1xf32> to vector<2000x128xf32>
    %mul3A_250 = vector.broadcast %get3A_248 : vector<1x128xf32> to vector<2000x128xf32>
    %mul3A_251 = arith.mulf %mul3A_249, %mul3A_250 : vector<2000x128xf32>
    %get3A_252 = arith.constant 0 : index
    %get3A_253 = arith.constant 0 : index
    %get3A_254 = vector.load %arg18[%get3A_252, %get3A_253] : memref<128x128xf32, #tpu.memory_space<vmem>>, vector<128x128xf32>
    %dot_general3A = arith.constant dense<0.000000e+00> : vector<2000x128xf32>
    %dot_general3A_255 = tpu.matmul %get3A_242, %get3A_254, %dot_general3A {dimension_numbers = #tpu.dot_dimension_numbers<[1], [0], [0], [1], [0, 0, 1, 1], [], []>, transpose_lhs_hint = false} : vector<2000x128xf32>, vector<128x128xf32>, vector<2000x128xf32> -> vector<2000x128xf32>
    %add3A = arith.addf %mul3A_251, %dot_general3A_255 : vector<2000x128xf32>
    %get3A_256 = arith.constant 0 : index
    %get3A_257 = arith.constant 0 : index
    %get3A_258 = vector.load %arg20[%get3A_256, %get3A_257] : memref<1x128xf32, #tpu.memory_space<vmem>>, vector<1x128xf32>
    %add3A_259 = vector.broadcast %get3A_258 : vector<1x128xf32> to vector<2000x128xf32>
    %add3A_260 = arith.addf %add3A, %add3A_259 : vector<2000x128xf32>
    %get3A_261 = arith.constant 0 : index
    %get3A_262 = arith.constant 0 : index
    %get3A_263 = vector.load %arg9[%get3A_261, %get3A_262] : memref<1x128xf32, #tpu.memory_space<vmem>>, vector<1x128xf32>
    %get3A_264 = arith.constant 0 : index
    %get3A_265 = arith.constant 0 : index
    %get3A_266 = vector.load %arg10[%get3A_264, %get3A_265] : memref<1x128xf32, #tpu.memory_space<vmem>>, vector<1x128xf32>
    %get3A_267 = arith.constant 0 : index
    %get3A_268 = arith.constant 0 : index
    %get3A_269 = vector.load %arg4[%get3A_267, %get3A_268] : memref<2000x8xf32, #tpu.memory_space<vmem>>, vector<2000x1xf32>
    %mul3A_270 = vector.broadcast %get3A_269 : vector<2000x1xf32> to vector<2000x128xf32>
    %mul3A_271 = vector.broadcast %get3A_263 : vector<1x128xf32> to vector<2000x128xf32>
    %mul3A_272 = arith.mulf %mul3A_270, %mul3A_271 : vector<2000x128xf32>
    %add3A_273 = vector.broadcast %get3A_266 : vector<1x128xf32> to vector<2000x128xf32>
    %add3A_274 = arith.addf %mul3A_272, %add3A_273 : vector<2000x128xf32>
    %mul3A_275 = arith.mulf %add3A_274, %add3A_274 : vector<2000x128xf32>
    %broadcast_in_dim3A = arith.constant -2.40382633E-7 : f32
    %broadcast_in_dim3A_276 = vector.broadcast %broadcast_in_dim3A : f32 to vector<2000x128xf32>
    %mul3A_277 = arith.mulf %broadcast_in_dim3A_276, %mul3A_275 : vector<2000x128xf32>
    %add3A_278 = arith.constant 2.45708616E-5 : f32
    %add3A_279 = vector.broadcast %add3A_278 : f32 to vector<2000x128xf32>
    %add3A_280 = arith.addf %mul3A_277, %add3A_279 : vector<2000x128xf32>
    %mul3A_281 = arith.mulf %add3A_280, %mul3A_275 : vector<2000x128xf32>
    %add3A_282 = arith.constant -0.00138818799 : f32
    %add3A_283 = vector.broadcast %add3A_282 : f32 to vector<2000x128xf32>
    %add3A_284 = arith.addf %mul3A_281, %add3A_283 : vector<2000x128xf32>
    %mul3A_285 = arith.mulf %add3A_284, %mul3A_275 : vector<2000x128xf32>
    %add3A_286 = arith.constant 0.0416657068 : f32
    %add3A_287 = vector.broadcast %add3A_286 : f32 to vector<2000x128xf32>
    %add3A_288 = arith.addf %mul3A_285, %add3A_287 : vector<2000x128xf32>
    %mul3A_289 = arith.mulf %add3A_288, %mul3A_275 : vector<2000x128xf32>
    %add3A_290 = arith.constant -0.499999523 : f32
    %add3A_291 = vector.broadcast %add3A_290 : f32 to vector<2000x128xf32>
    %add3A_292 = arith.addf %mul3A_289, %add3A_291 : vector<2000x128xf32>
    %mul3A_293 = arith.mulf %add3A_292, %mul3A_275 : vector<2000x128xf32>
    %add3A_294 = arith.constant 0.99999994 : f32
    %add3A_295 = vector.broadcast %add3A_294 : f32 to vector<2000x128xf32>
    %add3A_296 = arith.addf %mul3A_293, %add3A_295 : vector<2000x128xf32>
    %get3A_297 = arith.constant 0 : index
    %get3A_298 = arith.constant 0 : index
    %get3A_299 = vector.load %arg19[%get3A_297, %get3A_298] : memref<128x128xf32, #tpu.memory_space<vmem>>, vector<128x128xf32>
    %dot_general3A_300 = arith.constant dense<0.000000e+00> : vector<2000x128xf32>
    %dot_general3A_301 = tpu.matmul %add3A_296, %get3A_299, %dot_general3A_300 {dimension_numbers = #tpu.dot_dimension_numbers<[1], [0], [0], [1], [0, 0, 1, 1], [], []>, transpose_lhs_hint = false} : vector<2000x128xf32>, vector<128x128xf32>, vector<2000x128xf32> -> vector<2000x128xf32>
    %add3A_302 = arith.addf %add3A_260, %dot_general3A_301 : vector<2000x128xf32>
    %max3A_303 = arith.constant 0.000000e+00 : f32
    %max3A_304 = vector.broadcast %max3A_303 : f32 to vector<2000x128xf32>
    %max3A_305 = arith.maximumf %add3A_302, %max3A_304 : vector<2000x128xf32>
    %get3A_306 = arith.constant 0 : index
    %get3A_307 = arith.constant 0 : index
    %get3A_308 = vector.load %arg5[%get3A_306, %get3A_307] : memref<2000x8xf32, #tpu.memory_space<vmem>>, vector<2000x1xf32>
    %dot_general3A_309 = arith.constant dense<0.000000e+00> : vector<1x128xf32>
    %dot_general3A_310 = tpu.matmul %get3A_308, %max3A_305, %dot_general3A_309 {dimension_numbers = #tpu.dot_dimension_numbers<[0], [0], [1], [1], [0, 1, 1, 1], [], []>, transpose_lhs_hint = false} : vector<2000x1xf32>, vector<2000x128xf32>, vector<1x128xf32> -> vector<1x128xf32>
    %eq3A_311 = arith.constant 0 : i32
    %eq3A_312 = arith.cmpi eq, %arg0, %eq3A_311 : i32
    %convert_element_type3A_313 = arith.extui %eq3A_312 : i1 to i32
    %cond3A_314 = arith.constant 0 : i32
    %cond3A_315 = arith.cmpi ne, %convert_element_type3A_313, %cond3A_314 : i32
    scf.if %cond3A_315 {
      %swap3A_710 = arith.constant 0 : index
      %swap3A_711 = arith.constant 0 : index
      %swap3A_712 = vector.load %arg26[%swap3A_710, %swap3A_711] : memref<8x128xf32, #tpu.memory_space<vmem>>, vector<1x128xf32>
      tpu.vector_store %arg26[%swap3A_710, %swap3A_711], %dot_general3A_310 {strides = array<i32>} : memref<8x128xf32, #tpu.memory_space<vmem>>, vector<1x128xf32>,
    } else {
    }
    %gt3A = arith.constant 0 : i32
    %gt3A_316 = arith.cmpi sgt, %arg0, %gt3A : i32
    %convert_element_type3A_317 = arith.extui %gt3A_316 : i1 to i32
    %cond3A_318 = arith.constant 0 : i32
    %cond3A_319 = arith.cmpi ne, %convert_element_type3A_317, %cond3A_318 : i32
    scf.if %cond3A_319 {
      %get3A_710 = arith.constant 0 : index
      %get3A_711 = arith.constant 0 : index
      %get3A_712 = vector.load %arg26[%get3A_710, %get3A_711] : memref<8x128xf32, #tpu.memory_space<vmem>>, vector<1x128xf32>
      %add3A_713 = arith.addf %get3A_712, %dot_general3A_310 : vector<1x128xf32>
      %swap3A_714 = arith.constant 0 : index
      %swap3A_715 = arith.constant 0 : index
      %swap3A_716 = vector.load %arg26[%swap3A_714, %swap3A_715] : memref<8x128xf32, #tpu.memory_space<vmem>>, vector<1x128xf32>
      tpu.vector_store %arg26[%swap3A_714, %swap3A_715], %add3A_713 {strides = array<i32>} : memref<8x128xf32, #tpu.memory_space<vmem>>, vector<1x128xf32>,
    } else {
    }
    %get3A_320 = arith.constant 0 : index
    %get3A_321 = arith.constant 1 : index
    %get3A_322 = vector.load %arg4[%get3A_320, %get3A_321] : memref<2000x8xf32, #tpu.memory_space<vmem>>, vector<2000x1xf32>
    %mul3A_323 = vector.broadcast %get3A_322 : vector<2000x1xf32> to vector<2000x128xf32>
    %mul3A_324 = vector.broadcast %get3A_263 : vector<1x128xf32> to vector<2000x128xf32>
    %mul3A_325 = arith.mulf %mul3A_323, %mul3A_324 : vector<2000x128xf32>
    %add3A_326 = vector.broadcast %get3A_266 : vector<1x128xf32> to vector<2000x128xf32>
    %add3A_327 = arith.addf %mul3A_325, %add3A_326 : vector<2000x128xf32>
    %mul3A_328 = arith.mulf %add3A_327, %add3A_327 : vector<2000x128xf32>
    %broadcast_in_dim3A_329 = arith.constant -2.40382633E-7 : f32
    %broadcast_in_dim3A_330 = vector.broadcast %broadcast_in_dim3A_329 : f32 to vector<2000x128xf32>
    %mul3A_331 = arith.mulf %broadcast_in_dim3A_330, %mul3A_328 : vector<2000x128xf32>
    %add3A_332 = arith.constant 2.45708616E-5 : f32
    %add3A_333 = vector.broadcast %add3A_332 : f32 to vector<2000x128xf32>
    %add3A_334 = arith.addf %mul3A_331, %add3A_333 : vector<2000x128xf32>
    %mul3A_335 = arith.mulf %add3A_334, %mul3A_328 : vector<2000x128xf32>
    %add3A_336 = arith.constant -0.00138818799 : f32
    %add3A_337 = vector.broadcast %add3A_336 : f32 to vector<2000x128xf32>
    %add3A_338 = arith.addf %mul3A_335, %add3A_337 : vector<2000x128xf32>
    %mul3A_339 = arith.mulf %add3A_338, %mul3A_328 : vector<2000x128xf32>
    %add3A_340 = arith.constant 0.0416657068 : f32
    %add3A_341 = vector.broadcast %add3A_340 : f32 to vector<2000x128xf32>
    %add3A_342 = arith.addf %mul3A_339, %add3A_341 : vector<2000x128xf32>
    %mul3A_343 = arith.mulf %add3A_342, %mul3A_328 : vector<2000x128xf32>
    %add3A_344 = arith.constant -0.499999523 : f32
    %add3A_345 = vector.broadcast %add3A_344 : f32 to vector<2000x128xf32>
    %add3A_346 = arith.addf %mul3A_343, %add3A_345 : vector<2000x128xf32>
    %mul3A_347 = arith.mulf %add3A_346, %mul3A_328 : vector<2000x128xf32>
    %add3A_348 = arith.constant 0.99999994 : f32
    %add3A_349 = vector.broadcast %add3A_348 : f32 to vector<2000x128xf32>
    %add3A_350 = arith.addf %mul3A_347, %add3A_349 : vector<2000x128xf32>
    %get3A_351 = arith.constant 0 : index
    %get3A_352 = arith.constant 0 : index
    %get3A_353 = vector.load %arg19[%get3A_351, %get3A_352] : memref<128x128xf32, #tpu.memory_space<vmem>>, vector<128x128xf32>
    %dot_general3A_354 = arith.constant dense<0.000000e+00> : vector<2000x128xf32>
    %dot_general3A_355 = tpu.matmul %add3A_350, %get3A_353, %dot_general3A_354 {dimension_numbers = #tpu.dot_dimension_numbers<[1], [0], [0], [1], [0, 0, 1, 1], [], []>, transpose_lhs_hint = false} : vector<2000x128xf32>, vector<128x128xf32>, vector<2000x128xf32> -> vector<2000x128xf32>
    %add3A_356 = arith.addf %add3A_260, %dot_general3A_355 : vector<2000x128xf32>
    %max3A_357 = arith.constant 0.000000e+00 : f32
    %max3A_358 = vector.broadcast %max3A_357 : f32 to vector<2000x128xf32>
    %max3A_359 = arith.maximumf %add3A_356, %max3A_358 : vector<2000x128xf32>
    %get3A_360 = arith.constant 0 : index
    %get3A_361 = arith.constant 1 : index
    %get3A_362 = vector.load %arg5[%get3A_360, %get3A_361] : memref<2000x8xf32, #tpu.memory_space<vmem>>, vector<2000x1xf32>
    %dot_general3A_363 = arith.constant dense<0.000000e+00> : vector<1x128xf32>
    %dot_general3A_364 = tpu.matmul %get3A_362, %max3A_359, %dot_general3A_363 {dimension_numbers = #tpu.dot_dimension_numbers<[0], [0], [1], [1], [0, 1, 1, 1], [], []>, transpose_lhs_hint = false} : vector<2000x1xf32>, vector<2000x128xf32>, vector<1x128xf32> -> vector<1x128xf32>
    %eq3A_365 = arith.constant 0 : i32
    %eq3A_366 = arith.cmpi eq, %arg0, %eq3A_365 : i32
    %convert_element_type3A_367 = arith.extui %eq3A_366 : i1 to i32
    %cond3A_368 = arith.constant 0 : i32
    %cond3A_369 = arith.cmpi ne, %convert_element_type3A_367, %cond3A_368 : i32
    scf.if %cond3A_369 {
      %swap3A_710 = arith.constant 1 : index
      %swap3A_711 = arith.constant 0 : index
      %swap3A_712 = vector.load %arg26[%swap3A_710, %swap3A_711] : memref<8x128xf32, #tpu.memory_space<vmem>>, vector<1x128xf32>
      tpu.vector_store %arg26[%swap3A_710, %swap3A_711], %dot_general3A_364 {strides = array<i32>} : memref<8x128xf32, #tpu.memory_space<vmem>>, vector<1x128xf32>,
    } else {
    }
    %gt3A_370 = arith.constant 0 : i32
    %gt3A_371 = arith.cmpi sgt, %arg0, %gt3A_370 : i32
    %convert_element_type3A_372 = arith.extui %gt3A_371 : i1 to i32
    %cond3A_373 = arith.constant 0 : i32
    %cond3A_374 = arith.cmpi ne, %convert_element_type3A_372, %cond3A_373 : i32
    scf.if %cond3A_374 {
      %get3A_710 = arith.constant 1 : index
      %get3A_711 = arith.constant 0 : index
      %get3A_712 = vector.load %arg26[%get3A_710, %get3A_711] : memref<8x128xf32, #tpu.memory_space<vmem>>, vector<1x128xf32>
      %add3A_713 = arith.addf %get3A_712, %dot_general3A_364 : vector<1x128xf32>
      %swap3A_714 = arith.constant 1 : index
      %swap3A_715 = arith.constant 0 : index
      %swap3A_716 = vector.load %arg26[%swap3A_714, %swap3A_715] : memref<8x128xf32, #tpu.memory_space<vmem>>, vector<1x128xf32>
      tpu.vector_store %arg26[%swap3A_714, %swap3A_715], %add3A_713 {strides = array<i32>} : memref<8x128xf32, #tpu.memory_space<vmem>>, vector<1x128xf32>,
    } else {
    }
    %get3A_375 = arith.constant 0 : index
    %get3A_376 = arith.constant 2 : index
    %get3A_377 = vector.load %arg4[%get3A_375, %get3A_376] : memref<2000x8xf32, #tpu.memory_space<vmem>>, vector<2000x1xf32>
    %mul3A_378 = vector.broadcast %get3A_377 : vector<2000x1xf32> to vector<2000x128xf32>
    %mul3A_379 = vector.broadcast %get3A_263 : vector<1x128xf32> to vector<2000x128xf32>
    %mul3A_380 = arith.mulf %mul3A_378, %mul3A_379 : vector<2000x128xf32>
    %add3A_381 = vector.broadcast %get3A_266 : vector<1x128xf32> to vector<2000x128xf32>
    %add3A_382 = arith.addf %mul3A_380, %add3A_381 : vector<2000x128xf32>
    %mul3A_383 = arith.mulf %add3A_382, %add3A_382 : vector<2000x128xf32>
    %broadcast_in_dim3A_384 = arith.constant -2.40382633E-7 : f32
    %broadcast_in_dim3A_385 = vector.broadcast %broadcast_in_dim3A_384 : f32 to vector<2000x128xf32>
    %mul3A_386 = arith.mulf %broadcast_in_dim3A_385, %mul3A_383 : vector<2000x128xf32>
    %add3A_387 = arith.constant 2.45708616E-5 : f32
    %add3A_388 = vector.broadcast %add3A_387 : f32 to vector<2000x128xf32>
    %add3A_389 = arith.addf %mul3A_386, %add3A_388 : vector<2000x128xf32>
    %mul3A_390 = arith.mulf %add3A_389, %mul3A_383 : vector<2000x128xf32>
    %add3A_391 = arith.constant -0.00138818799 : f32
    %add3A_392 = vector.broadcast %add3A_391 : f32 to vector<2000x128xf32>
    %add3A_393 = arith.addf %mul3A_390, %add3A_392 : vector<2000x128xf32>
    %mul3A_394 = arith.mulf %add3A_393, %mul3A_383 : vector<2000x128xf32>
    %add3A_395 = arith.constant 0.0416657068 : f32
    %add3A_396 = vector.broadcast %add3A_395 : f32 to vector<2000x128xf32>
    %add3A_397 = arith.addf %mul3A_394, %add3A_396 : vector<2000x128xf32>
    %mul3A_398 = arith.mulf %add3A_397, %mul3A_383 : vector<2000x128xf32>
    %add3A_399 = arith.constant -0.499999523 : f32
    %add3A_400 = vector.broadcast %add3A_399 : f32 to vector<2000x128xf32>
    %add3A_401 = arith.addf %mul3A_398, %add3A_400 : vector<2000x128xf32>
    %mul3A_402 = arith.mulf %add3A_401, %mul3A_383 : vector<2000x128xf32>
    %add3A_403 = arith.constant 0.99999994 : f32
    %add3A_404 = vector.broadcast %add3A_403 : f32 to vector<2000x128xf32>
    %add3A_405 = arith.addf %mul3A_402, %add3A_404 : vector<2000x128xf32>
    %get3A_406 = arith.constant 0 : index
    %get3A_407 = arith.constant 0 : index
    %get3A_408 = vector.load %arg19[%get3A_406, %get3A_407] : memref<128x128xf32, #tpu.memory_space<vmem>>, vector<128x128xf32>
    %dot_general3A_409 = arith.constant dense<0.000000e+00> : vector<2000x128xf32>
    %dot_general3A_410 = tpu.matmul %add3A_405, %get3A_408, %dot_general3A_409 {dimension_numbers = #tpu.dot_dimension_numbers<[1], [0], [0], [1], [0, 0, 1, 1], [], []>, transpose_lhs_hint = false} : vector<2000x128xf32>, vector<128x128xf32>, vector<2000x128xf32> -> vector<2000x128xf32>
    %add3A_411 = arith.addf %add3A_260, %dot_general3A_410 : vector<2000x128xf32>
    %max3A_412 = arith.constant 0.000000e+00 : f32
    %max3A_413 = vector.broadcast %max3A_412 : f32 to vector<2000x128xf32>
    %max3A_414 = arith.maximumf %add3A_411, %max3A_413 : vector<2000x128xf32>
    %get3A_415 = arith.constant 0 : index
    %get3A_416 = arith.constant 2 : index
    %get3A_417 = vector.load %arg5[%get3A_415, %get3A_416] : memref<2000x8xf32, #tpu.memory_space<vmem>>, vector<2000x1xf32>
    %dot_general3A_418 = arith.constant dense<0.000000e+00> : vector<1x128xf32>
    %dot_general3A_419 = tpu.matmul %get3A_417, %max3A_414, %dot_general3A_418 {dimension_numbers = #tpu.dot_dimension_numbers<[0], [0], [1], [1], [0, 1, 1, 1], [], []>, transpose_lhs_hint = false} : vector<2000x1xf32>, vector<2000x128xf32>, vector<1x128xf32> -> vector<1x128xf32>
    %eq3A_420 = arith.constant 0 : i32
    %eq3A_421 = arith.cmpi eq, %arg0, %eq3A_420 : i32
    %convert_element_type3A_422 = arith.extui %eq3A_421 : i1 to i32
    %cond3A_423 = arith.constant 0 : i32
    %cond3A_424 = arith.cmpi ne, %convert_element_type3A_422, %cond3A_423 : i32
    scf.if %cond3A_424 {
      %swap3A_710 = arith.constant 2 : index
      %swap3A_711 = arith.constant 0 : index
      %swap3A_712 = vector.load %arg26[%swap3A_710, %swap3A_711] : memref<8x128xf32, #tpu.memory_space<vmem>>, vector<1x128xf32>
      tpu.vector_store %arg26[%swap3A_710, %swap3A_711], %dot_general3A_419 {strides = array<i32>} : memref<8x128xf32, #tpu.memory_space<vmem>>, vector<1x128xf32>,
    } else {
    }
    %gt3A_425 = arith.constant 0 : i32
    %gt3A_426 = arith.cmpi sgt, %arg0, %gt3A_425 : i32
    %convert_element_type3A_427 = arith.extui %gt3A_426 : i1 to i32
    %cond3A_428 = arith.constant 0 : i32
    %cond3A_429 = arith.cmpi ne, %convert_element_type3A_427, %cond3A_428 : i32
    scf.if %cond3A_429 {
      %get3A_710 = arith.constant 2 : index
      %get3A_711 = arith.constant 0 : index
      %get3A_712 = vector.load %arg26[%get3A_710, %get3A_711] : memref<8x128xf32, #tpu.memory_space<vmem>>, vector<1x128xf32>
      %add3A_713 = arith.addf %get3A_712, %dot_general3A_419 : vector<1x128xf32>
      %swap3A_714 = arith.constant 2 : index
      %swap3A_715 = arith.constant 0 : index
      %swap3A_716 = vector.load %arg26[%swap3A_714, %swap3A_715] : memref<8x128xf32, #tpu.memory_space<vmem>>, vector<1x128xf32>
      tpu.vector_store %arg26[%swap3A_714, %swap3A_715], %add3A_713 {strides = array<i32>} : memref<8x128xf32, #tpu.memory_space<vmem>>, vector<1x128xf32>,
    } else {
    }
    %get3A_430 = arith.constant 0 : index
    %get3A_431 = arith.constant 3 : index
    %get3A_432 = vector.load %arg4[%get3A_430, %get3A_431] : memref<2000x8xf32, #tpu.memory_space<vmem>>, vector<2000x1xf32>
    %mul3A_433 = vector.broadcast %get3A_432 : vector<2000x1xf32> to vector<2000x128xf32>
    %mul3A_434 = vector.broadcast %get3A_263 : vector<1x128xf32> to vector<2000x128xf32>
    %mul3A_435 = arith.mulf %mul3A_433, %mul3A_434 : vector<2000x128xf32>
    %add3A_436 = vector.broadcast %get3A_266 : vector<1x128xf32> to vector<2000x128xf32>
    %add3A_437 = arith.addf %mul3A_435, %add3A_436 : vector<2000x128xf32>
    %mul3A_438 = arith.mulf %add3A_437, %add3A_437 : vector<2000x128xf32>
    %broadcast_in_dim3A_439 = arith.constant -2.40382633E-7 : f32
    %broadcast_in_dim3A_440 = vector.broadcast %broadcast_in_dim3A_439 : f32 to vector<2000x128xf32>
    %mul3A_441 = arith.mulf %broadcast_in_dim3A_440, %mul3A_438 : vector<2000x128xf32>
    %add3A_442 = arith.constant 2.45708616E-5 : f32
    %add3A_443 = vector.broadcast %add3A_442 : f32 to vector<2000x128xf32>
    %add3A_444 = arith.addf %mul3A_441, %add3A_443 : vector<2000x128xf32>
    %mul3A_445 = arith.mulf %add3A_444, %mul3A_438 : vector<2000x128xf32>
    %add3A_446 = arith.constant -0.00138818799 : f32
    %add3A_447 = vector.broadcast %add3A_446 : f32 to vector<2000x128xf32>
    %add3A_448 = arith.addf %mul3A_445, %add3A_447 : vector<2000x128xf32>
    %mul3A_449 = arith.mulf %add3A_448, %mul3A_438 : vector<2000x128xf32>
    %add3A_450 = arith.constant 0.0416657068 : f32
    %add3A_451 = vector.broadcast %add3A_450 : f32 to vector<2000x128xf32>
    %add3A_452 = arith.addf %mul3A_449, %add3A_451 : vector<2000x128xf32>
    %mul3A_453 = arith.mulf %add3A_452, %mul3A_438 : vector<2000x128xf32>
    %add3A_454 = arith.constant -0.499999523 : f32
    %add3A_455 = vector.broadcast %add3A_454 : f32 to vector<2000x128xf32>
    %add3A_456 = arith.addf %mul3A_453, %add3A_455 : vector<2000x128xf32>
    %mul3A_457 = arith.mulf %add3A_456, %mul3A_438 : vector<2000x128xf32>
    %add3A_458 = arith.constant 0.99999994 : f32
    %add3A_459 = vector.broadcast %add3A_458 : f32 to vector<2000x128xf32>
    %add3A_460 = arith.addf %mul3A_457, %add3A_459 : vector<2000x128xf32>
    %get3A_461 = arith.constant 0 : index
    %get3A_462 = arith.constant 0 : index
    %get3A_463 = vector.load %arg19[%get3A_461, %get3A_462] : memref<128x128xf32, #tpu.memory_space<vmem>>, vector<128x128xf32>
    %dot_general3A_464 = arith.constant dense<0.000000e+00> : vector<2000x128xf32>
    %dot_general3A_465 = tpu.matmul %add3A_460, %get3A_463, %dot_general3A_464 {dimension_numbers = #tpu.dot_dimension_numbers<[1], [0], [0], [1], [0, 0, 1, 1], [], []>, transpose_lhs_hint = false} : vector<2000x128xf32>, vector<128x128xf32>, vector<2000x128xf32> -> vector<2000x128xf32>
    %add3A_466 = arith.addf %add3A_260, %dot_general3A_465 : vector<2000x128xf32>
    %max3A_467 = arith.constant 0.000000e+00 : f32
    %max3A_468 = vector.broadcast %max3A_467 : f32 to vector<2000x128xf32>
    %max3A_469 = arith.maximumf %add3A_466, %max3A_468 : vector<2000x128xf32>
    %get3A_470 = arith.constant 0 : index
    %get3A_471 = arith.constant 3 : index
    %get3A_472 = vector.load %arg5[%get3A_470, %get3A_471] : memref<2000x8xf32, #tpu.memory_space<vmem>>, vector<2000x1xf32>
    %dot_general3A_473 = arith.constant dense<0.000000e+00> : vector<1x128xf32>
    %dot_general3A_474 = tpu.matmul %get3A_472, %max3A_469, %dot_general3A_473 {dimension_numbers = #tpu.dot_dimension_numbers<[0], [0], [1], [1], [0, 1, 1, 1], [], []>, transpose_lhs_hint = false} : vector<2000x1xf32>, vector<2000x128xf32>, vector<1x128xf32> -> vector<1x128xf32>
    %eq3A_475 = arith.constant 0 : i32
    %eq3A_476 = arith.cmpi eq, %arg0, %eq3A_475 : i32
    %convert_element_type3A_477 = arith.extui %eq3A_476 : i1 to i32
    %cond3A_478 = arith.constant 0 : i32
    %cond3A_479 = arith.cmpi ne, %convert_element_type3A_477, %cond3A_478 : i32
    scf.if %cond3A_479 {
      %swap3A_710 = arith.constant 3 : index
      %swap3A_711 = arith.constant 0 : index
      %swap3A_712 = vector.load %arg26[%swap3A_710, %swap3A_711] : memref<8x128xf32, #tpu.memory_space<vmem>>, vector<1x128xf32>
      tpu.vector_store %arg26[%swap3A_710, %swap3A_711], %dot_general3A_474 {strides = array<i32>} : memref<8x128xf32, #tpu.memory_space<vmem>>, vector<1x128xf32>,
    } else {
    }
    %gt3A_480 = arith.constant 0 : i32
    %gt3A_481 = arith.cmpi sgt, %arg0, %gt3A_480 : i32
    %convert_element_type3A_482 = arith.extui %gt3A_481 : i1 to i32
    %cond3A_483 = arith.constant 0 : i32
    %cond3A_484 = arith.cmpi ne, %convert_element_type3A_482, %cond3A_483 : i32
    scf.if %cond3A_484 {
      %get3A_710 = arith.constant 3 : index
      %get3A_711 = arith.constant 0 : index
      %get3A_712 = vector.load %arg26[%get3A_710, %get3A_711] : memref<8x128xf32, #tpu.memory_space<vmem>>, vector<1x128xf32>
      %add3A_713 = arith.addf %get3A_712, %dot_general3A_474 : vector<1x128xf32>
      %swap3A_714 = arith.constant 3 : index
      %swap3A_715 = arith.constant 0 : index
      %swap3A_716 = vector.load %arg26[%swap3A_714, %swap3A_715] : memref<8x128xf32, #tpu.memory_space<vmem>>, vector<1x128xf32>
      tpu.vector_store %arg26[%swap3A_714, %swap3A_715], %add3A_713 {strides = array<i32>} : memref<8x128xf32, #tpu.memory_space<vmem>>, vector<1x128xf32>,
    } else {
    }
    %get3A_485 = arith.constant 0 : index
    %get3A_486 = arith.constant 4 : index
    %get3A_487 = vector.load %arg4[%get3A_485, %get3A_486] : memref<2000x8xf32, #tpu.memory_space<vmem>>, vector<2000x1xf32>
    %mul3A_488 = vector.broadcast %get3A_487 : vector<2000x1xf32> to vector<2000x128xf32>
    %mul3A_489 = vector.broadcast %get3A_263 : vector<1x128xf32> to vector<2000x128xf32>
    %mul3A_490 = arith.mulf %mul3A_488, %mul3A_489 : vector<2000x128xf32>
    %add3A_491 = vector.broadcast %get3A_266 : vector<1x128xf32> to vector<2000x128xf32>
    %add3A_492 = arith.addf %mul3A_490, %add3A_491 : vector<2000x128xf32>
    %mul3A_493 = arith.mulf %add3A_492, %add3A_492 : vector<2000x128xf32>
    %broadcast_in_dim3A_494 = arith.constant -2.40382633E-7 : f32
    %broadcast_in_dim3A_495 = vector.broadcast %broadcast_in_dim3A_494 : f32 to vector<2000x128xf32>
    %mul3A_496 = arith.mulf %broadcast_in_dim3A_495, %mul3A_493 : vector<2000x128xf32>
    %add3A_497 = arith.constant 2.45708616E-5 : f32
    %add3A_498 = vector.broadcast %add3A_497 : f32 to vector<2000x128xf32>
    %add3A_499 = arith.addf %mul3A_496, %add3A_498 : vector<2000x128xf32>
    %mul3A_500 = arith.mulf %add3A_499, %mul3A_493 : vector<2000x128xf32>
    %add3A_501 = arith.constant -0.00138818799 : f32
    %add3A_502 = vector.broadcast %add3A_501 : f32 to vector<2000x128xf32>
    %add3A_503 = arith.addf %mul3A_500, %add3A_502 : vector<2000x128xf32>
    %mul3A_504 = arith.mulf %add3A_503, %mul3A_493 : vector<2000x128xf32>
    %add3A_505 = arith.constant 0.0416657068 : f32
    %add3A_506 = vector.broadcast %add3A_505 : f32 to vector<2000x128xf32>
    %add3A_507 = arith.addf %mul3A_504, %add3A_506 : vector<2000x128xf32>
    %mul3A_508 = arith.mulf %add3A_507, %mul3A_493 : vector<2000x128xf32>
    %add3A_509 = arith.constant -0.499999523 : f32
    %add3A_510 = vector.broadcast %add3A_509 : f32 to vector<2000x128xf32>
    %add3A_511 = arith.addf %mul3A_508, %add3A_510 : vector<2000x128xf32>
    %mul3A_512 = arith.mulf %add3A_511, %mul3A_493 : vector<2000x128xf32>
    %add3A_513 = arith.constant 0.99999994 : f32
    %add3A_514 = vector.broadcast %add3A_513 : f32 to vector<2000x128xf32>
    %add3A_515 = arith.addf %mul3A_512, %add3A_514 : vector<2000x128xf32>
    %get3A_516 = arith.constant 0 : index
    %get3A_517 = arith.constant 0 : index
    %get3A_518 = vector.load %arg19[%get3A_516, %get3A_517] : memref<128x128xf32, #tpu.memory_space<vmem>>, vector<128x128xf32>
    %dot_general3A_519 = arith.constant dense<0.000000e+00> : vector<2000x128xf32>
    %dot_general3A_520 = tpu.matmul %add3A_515, %get3A_518, %dot_general3A_519 {dimension_numbers = #tpu.dot_dimension_numbers<[1], [0], [0], [1], [0, 0, 1, 1], [], []>, transpose_lhs_hint = false} : vector<2000x128xf32>, vector<128x128xf32>, vector<2000x128xf32> -> vector<2000x128xf32>
    %add3A_521 = arith.addf %add3A_260, %dot_general3A_520 : vector<2000x128xf32>
    %max3A_522 = arith.constant 0.000000e+00 : f32
    %max3A_523 = vector.broadcast %max3A_522 : f32 to vector<2000x128xf32>
    %max3A_524 = arith.maximumf %add3A_521, %max3A_523 : vector<2000x128xf32>
    %get3A_525 = arith.constant 0 : index
    %get3A_526 = arith.constant 4 : index
    %get3A_527 = vector.load %arg5[%get3A_525, %get3A_526] : memref<2000x8xf32, #tpu.memory_space<vmem>>, vector<2000x1xf32>
    %dot_general3A_528 = arith.constant dense<0.000000e+00> : vector<1x128xf32>
    %dot_general3A_529 = tpu.matmul %get3A_527, %max3A_524, %dot_general3A_528 {dimension_numbers = #tpu.dot_dimension_numbers<[0], [0], [1], [1], [0, 1, 1, 1], [], []>, transpose_lhs_hint = false} : vector<2000x1xf32>, vector<2000x128xf32>, vector<1x128xf32> -> vector<1x128xf32>
    %eq3A_530 = arith.constant 0 : i32
    %eq3A_531 = arith.cmpi eq, %arg0, %eq3A_530 : i32
    %convert_element_type3A_532 = arith.extui %eq3A_531 : i1 to i32
    %cond3A_533 = arith.constant 0 : i32
    %cond3A_534 = arith.cmpi ne, %convert_element_type3A_532, %cond3A_533 : i32
    scf.if %cond3A_534 {
      %swap3A_710 = arith.constant 4 : index
      %swap3A_711 = arith.constant 0 : index
      %swap3A_712 = vector.load %arg26[%swap3A_710, %swap3A_711] : memref<8x128xf32, #tpu.memory_space<vmem>>, vector<1x128xf32>
      tpu.vector_store %arg26[%swap3A_710, %swap3A_711], %dot_general3A_529 {strides = array<i32>} : memref<8x128xf32, #tpu.memory_space<vmem>>, vector<1x128xf32>,
    } else {
    }
    %gt3A_535 = arith.constant 0 : i32
    %gt3A_536 = arith.cmpi sgt, %arg0, %gt3A_535 : i32
    %convert_element_type3A_537 = arith.extui %gt3A_536 : i1 to i32
    %cond3A_538 = arith.constant 0 : i32
    %cond3A_539 = arith.cmpi ne, %convert_element_type3A_537, %cond3A_538 : i32
    scf.if %cond3A_539 {
      %get3A_710 = arith.constant 4 : index
      %get3A_711 = arith.constant 0 : index
      %get3A_712 = vector.load %arg26[%get3A_710, %get3A_711] : memref<8x128xf32, #tpu.memory_space<vmem>>, vector<1x128xf32>
      %add3A_713 = arith.addf %get3A_712, %dot_general3A_529 : vector<1x128xf32>
      %swap3A_714 = arith.constant 4 : index
      %swap3A_715 = arith.constant 0 : index
      %swap3A_716 = vector.load %arg26[%swap3A_714, %swap3A_715] : memref<8x128xf32, #tpu.memory_space<vmem>>, vector<1x128xf32>
      tpu.vector_store %arg26[%swap3A_714, %swap3A_715], %add3A_713 {strides = array<i32>} : memref<8x128xf32, #tpu.memory_space<vmem>>, vector<1x128xf32>,
    } else {
    }
    %get3A_540 = arith.constant 0 : index
    %get3A_541 = arith.constant 5 : index
    %get3A_542 = vector.load %arg4[%get3A_540, %get3A_541] : memref<2000x8xf32, #tpu.memory_space<vmem>>, vector<2000x1xf32>
    %mul3A_543 = vector.broadcast %get3A_542 : vector<2000x1xf32> to vector<2000x128xf32>
    %mul3A_544 = vector.broadcast %get3A_263 : vector<1x128xf32> to vector<2000x128xf32>
    %mul3A_545 = arith.mulf %mul3A_543, %mul3A_544 : vector<2000x128xf32>
    %add3A_546 = vector.broadcast %get3A_266 : vector<1x128xf32> to vector<2000x128xf32>
    %add3A_547 = arith.addf %mul3A_545, %add3A_546 : vector<2000x128xf32>
    %mul3A_548 = arith.mulf %add3A_547, %add3A_547 : vector<2000x128xf32>
    %broadcast_in_dim3A_549 = arith.constant -2.40382633E-7 : f32
    %broadcast_in_dim3A_550 = vector.broadcast %broadcast_in_dim3A_549 : f32 to vector<2000x128xf32>
    %mul3A_551 = arith.mulf %broadcast_in_dim3A_550, %mul3A_548 : vector<2000x128xf32>
    %add3A_552 = arith.constant 2.45708616E-5 : f32
    %add3A_553 = vector.broadcast %add3A_552 : f32 to vector<2000x128xf32>
    %add3A_554 = arith.addf %mul3A_551, %add3A_553 : vector<2000x128xf32>
    %mul3A_555 = arith.mulf %add3A_554, %mul3A_548 : vector<2000x128xf32>
    %add3A_556 = arith.constant -0.00138818799 : f32
    %add3A_557 = vector.broadcast %add3A_556 : f32 to vector<2000x128xf32>
    %add3A_558 = arith.addf %mul3A_555, %add3A_557 : vector<2000x128xf32>
    %mul3A_559 = arith.mulf %add3A_558, %mul3A_548 : vector<2000x128xf32>
    %add3A_560 = arith.constant 0.0416657068 : f32
    %add3A_561 = vector.broadcast %add3A_560 : f32 to vector<2000x128xf32>
    %add3A_562 = arith.addf %mul3A_559, %add3A_561 : vector<2000x128xf32>
    %mul3A_563 = arith.mulf %add3A_562, %mul3A_548 : vector<2000x128xf32>
    %add3A_564 = arith.constant -0.499999523 : f32
    %add3A_565 = vector.broadcast %add3A_564 : f32 to vector<2000x128xf32>
    %add3A_566 = arith.addf %mul3A_563, %add3A_565 : vector<2000x128xf32>
    %mul3A_567 = arith.mulf %add3A_566, %mul3A_548 : vector<2000x128xf32>
    %add3A_568 = arith.constant 0.99999994 : f32
    %add3A_569 = vector.broadcast %add3A_568 : f32 to vector<2000x128xf32>
    %add3A_570 = arith.addf %mul3A_567, %add3A_569 : vector<2000x128xf32>
    %get3A_571 = arith.constant 0 : index
    %get3A_572 = arith.constant 0 : index
    %get3A_573 = vector.load %arg19[%get3A_571, %get3A_572] : memref<128x128xf32, #tpu.memory_space<vmem>>, vector<128x128xf32>
    %dot_general3A_574 = arith.constant dense<0.000000e+00> : vector<2000x128xf32>
    %dot_general3A_575 = tpu.matmul %add3A_570, %get3A_573, %dot_general3A_574 {dimension_numbers = #tpu.dot_dimension_numbers<[1], [0], [0], [1], [0, 0, 1, 1], [], []>, transpose_lhs_hint = false} : vector<2000x128xf32>, vector<128x128xf32>, vector<2000x128xf32> -> vector<2000x128xf32>
    %add3A_576 = arith.addf %add3A_260, %dot_general3A_575 : vector<2000x128xf32>
    %max3A_577 = arith.constant 0.000000e+00 : f32
    %max3A_578 = vector.broadcast %max3A_577 : f32 to vector<2000x128xf32>
    %max3A_579 = arith.maximumf %add3A_576, %max3A_578 : vector<2000x128xf32>
    %get3A_580 = arith.constant 0 : index
    %get3A_581 = arith.constant 5 : index
    %get3A_582 = vector.load %arg5[%get3A_580, %get3A_581] : memref<2000x8xf32, #tpu.memory_space<vmem>>, vector<2000x1xf32>
    %dot_general3A_583 = arith.constant dense<0.000000e+00> : vector<1x128xf32>
    %dot_general3A_584 = tpu.matmul %get3A_582, %max3A_579, %dot_general3A_583 {dimension_numbers = #tpu.dot_dimension_numbers<[0], [0], [1], [1], [0, 1, 1, 1], [], []>, transpose_lhs_hint = false} : vector<2000x1xf32>, vector<2000x128xf32>, vector<1x128xf32> -> vector<1x128xf32>
    %eq3A_585 = arith.constant 0 : i32
    %eq3A_586 = arith.cmpi eq, %arg0, %eq3A_585 : i32
    %convert_element_type3A_587 = arith.extui %eq3A_586 : i1 to i32
    %cond3A_588 = arith.constant 0 : i32
    %cond3A_589 = arith.cmpi ne, %convert_element_type3A_587, %cond3A_588 : i32
    scf.if %cond3A_589 {
      %swap3A_710 = arith.constant 5 : index
      %swap3A_711 = arith.constant 0 : index
      %swap3A_712 = vector.load %arg26[%swap3A_710, %swap3A_711] : memref<8x128xf32, #tpu.memory_space<vmem>>, vector<1x128xf32>
      tpu.vector_store %arg26[%swap3A_710, %swap3A_711], %dot_general3A_584 {strides = array<i32>} : memref<8x128xf32, #tpu.memory_space<vmem>>, vector<1x128xf32>,
    } else {
    }
    %gt3A_590 = arith.constant 0 : i32
    %gt3A_591 = arith.cmpi sgt, %arg0, %gt3A_590 : i32
    %convert_element_type3A_592 = arith.extui %gt3A_591 : i1 to i32
    %cond3A_593 = arith.constant 0 : i32
    %cond3A_594 = arith.cmpi ne, %convert_element_type3A_592, %cond3A_593 : i32
    scf.if %cond3A_594 {
      %get3A_710 = arith.constant 5 : index
      %get3A_711 = arith.constant 0 : index
      %get3A_712 = vector.load %arg26[%get3A_710, %get3A_711] : memref<8x128xf32, #tpu.memory_space<vmem>>, vector<1x128xf32>
      %add3A_713 = arith.addf %get3A_712, %dot_general3A_584 : vector<1x128xf32>
      %swap3A_714 = arith.constant 5 : index
      %swap3A_715 = arith.constant 0 : index
      %swap3A_716 = vector.load %arg26[%swap3A_714, %swap3A_715] : memref<8x128xf32, #tpu.memory_space<vmem>>, vector<1x128xf32>
      tpu.vector_store %arg26[%swap3A_714, %swap3A_715], %add3A_713 {strides = array<i32>} : memref<8x128xf32, #tpu.memory_space<vmem>>, vector<1x128xf32>,
    } else {
    }
    %get3A_595 = arith.constant 0 : index
    %get3A_596 = arith.constant 6 : index
    %get3A_597 = vector.load %arg4[%get3A_595, %get3A_596] : memref<2000x8xf32, #tpu.memory_space<vmem>>, vector<2000x1xf32>
    %mul3A_598 = vector.broadcast %get3A_597 : vector<2000x1xf32> to vector<2000x128xf32>
    %mul3A_599 = vector.broadcast %get3A_263 : vector<1x128xf32> to vector<2000x128xf32>
    %mul3A_600 = arith.mulf %mul3A_598, %mul3A_599 : vector<2000x128xf32>
    %add3A_601 = vector.broadcast %get3A_266 : vector<1x128xf32> to vector<2000x128xf32>
    %add3A_602 = arith.addf %mul3A_600, %add3A_601 : vector<2000x128xf32>
    %mul3A_603 = arith.mulf %add3A_602, %add3A_602 : vector<2000x128xf32>
    %broadcast_in_dim3A_604 = arith.constant -2.40382633E-7 : f32
    %broadcast_in_dim3A_605 = vector.broadcast %broadcast_in_dim3A_604 : f32 to vector<2000x128xf32>
    %mul3A_606 = arith.mulf %broadcast_in_dim3A_605, %mul3A_603 : vector<2000x128xf32>
    %add3A_607 = arith.constant 2.45708616E-5 : f32
    %add3A_608 = vector.broadcast %add3A_607 : f32 to vector<2000x128xf32>
    %add3A_609 = arith.addf %mul3A_606, %add3A_608 : vector<2000x128xf32>
    %mul3A_610 = arith.mulf %add3A_609, %mul3A_603 : vector<2000x128xf32>
    %add3A_611 = arith.constant -0.00138818799 : f32
    %add3A_612 = vector.broadcast %add3A_611 : f32 to vector<2000x128xf32>
    %add3A_613 = arith.addf %mul3A_610, %add3A_612 : vector<2000x128xf32>
    %mul3A_614 = arith.mulf %add3A_613, %mul3A_603 : vector<2000x128xf32>
    %add3A_615 = arith.constant 0.0416657068 : f32
    %add3A_616 = vector.broadcast %add3A_615 : f32 to vector<2000x128xf32>
    %add3A_617 = arith.addf %mul3A_614, %add3A_616 : vector<2000x128xf32>
    %mul3A_618 = arith.mulf %add3A_617, %mul3A_603 : vector<2000x128xf32>
    %add3A_619 = arith.constant -0.499999523 : f32
    %add3A_620 = vector.broadcast %add3A_619 : f32 to vector<2000x128xf32>
    %add3A_621 = arith.addf %mul3A_618, %add3A_620 : vector<2000x128xf32>
    %mul3A_622 = arith.mulf %add3A_621, %mul3A_603 : vector<2000x128xf32>
    %add3A_623 = arith.constant 0.99999994 : f32
    %add3A_624 = vector.broadcast %add3A_623 : f32 to vector<2000x128xf32>
    %add3A_625 = arith.addf %mul3A_622, %add3A_624 : vector<2000x128xf32>
    %get3A_626 = arith.constant 0 : index
    %get3A_627 = arith.constant 0 : index
    %get3A_628 = vector.load %arg19[%get3A_626, %get3A_627] : memref<128x128xf32, #tpu.memory_space<vmem>>, vector<128x128xf32>
    %dot_general3A_629 = arith.constant dense<0.000000e+00> : vector<2000x128xf32>
    %dot_general3A_630 = tpu.matmul %add3A_625, %get3A_628, %dot_general3A_629 {dimension_numbers = #tpu.dot_dimension_numbers<[1], [0], [0], [1], [0, 0, 1, 1], [], []>, transpose_lhs_hint = false} : vector<2000x128xf32>, vector<128x128xf32>, vector<2000x128xf32> -> vector<2000x128xf32>
    %add3A_631 = arith.addf %add3A_260, %dot_general3A_630 : vector<2000x128xf32>
    %max3A_632 = arith.constant 0.000000e+00 : f32
    %max3A_633 = vector.broadcast %max3A_632 : f32 to vector<2000x128xf32>
    %max3A_634 = arith.maximumf %add3A_631, %max3A_633 : vector<2000x128xf32>
    %get3A_635 = arith.constant 0 : index
    %get3A_636 = arith.constant 6 : index
    %get3A_637 = vector.load %arg5[%get3A_635, %get3A_636] : memref<2000x8xf32, #tpu.memory_space<vmem>>, vector<2000x1xf32>
    %dot_general3A_638 = arith.constant dense<0.000000e+00> : vector<1x128xf32>
    %dot_general3A_639 = tpu.matmul %get3A_637, %max3A_634, %dot_general3A_638 {dimension_numbers = #tpu.dot_dimension_numbers<[0], [0], [1], [1], [0, 1, 1, 1], [], []>, transpose_lhs_hint = false} : vector<2000x1xf32>, vector<2000x128xf32>, vector<1x128xf32> -> vector<1x128xf32>
    %eq3A_640 = arith.constant 0 : i32
    %eq3A_641 = arith.cmpi eq, %arg0, %eq3A_640 : i32
    %convert_element_type3A_642 = arith.extui %eq3A_641 : i1 to i32
    %cond3A_643 = arith.constant 0 : i32
    %cond3A_644 = arith.cmpi ne, %convert_element_type3A_642, %cond3A_643 : i32
    scf.if %cond3A_644 {
      %swap3A_710 = arith.constant 6 : index
      %swap3A_711 = arith.constant 0 : index
      %swap3A_712 = vector.load %arg26[%swap3A_710, %swap3A_711] : memref<8x128xf32, #tpu.memory_space<vmem>>, vector<1x128xf32>
      tpu.vector_store %arg26[%swap3A_710, %swap3A_711], %dot_general3A_639 {strides = array<i32>} : memref<8x128xf32, #tpu.memory_space<vmem>>, vector<1x128xf32>,
    } else {
    }
    %gt3A_645 = arith.constant 0 : i32
    %gt3A_646 = arith.cmpi sgt, %arg0, %gt3A_645 : i32
    %convert_element_type3A_647 = arith.extui %gt3A_646 : i1 to i32
    %cond3A_648 = arith.constant 0 : i32
    %cond3A_649 = arith.cmpi ne, %convert_element_type3A_647, %cond3A_648 : i32
    scf.if %cond3A_649 {
      %get3A_710 = arith.constant 6 : index
      %get3A_711 = arith.constant 0 : index
      %get3A_712 = vector.load %arg26[%get3A_710, %get3A_711] : memref<8x128xf32, #tpu.memory_space<vmem>>, vector<1x128xf32>
      %add3A_713 = arith.addf %get3A_712, %dot_general3A_639 : vector<1x128xf32>
      %swap3A_714 = arith.constant 6 : index
      %swap3A_715 = arith.constant 0 : index
      %swap3A_716 = vector.load %arg26[%swap3A_714, %swap3A_715] : memref<8x128xf32, #tpu.memory_space<vmem>>, vector<1x128xf32>
      tpu.vector_store %arg26[%swap3A_714, %swap3A_715], %add3A_713 {strides = array<i32>} : memref<8x128xf32, #tpu.memory_space<vmem>>, vector<1x128xf32>,
    } else {
    }
    %get3A_650 = arith.constant 0 : index
    %get3A_651 = arith.constant 7 : index
    %get3A_652 = vector.load %arg4[%get3A_650, %get3A_651] : memref<2000x8xf32, #tpu.memory_space<vmem>>, vector<2000x1xf32>
    %mul3A_653 = vector.broadcast %get3A_652 : vector<2000x1xf32> to vector<2000x128xf32>
    %mul3A_654 = vector.broadcast %get3A_263 : vector<1x128xf32> to vector<2000x128xf32>
    %mul3A_655 = arith.mulf %mul3A_653, %mul3A_654 : vector<2000x128xf32>
    %add3A_656 = vector.broadcast %get3A_266 : vector<1x128xf32> to vector<2000x128xf32>
    %add3A_657 = arith.addf %mul3A_655, %add3A_656 : vector<2000x128xf32>
    %mul3A_658 = arith.mulf %add3A_657, %add3A_657 : vector<2000x128xf32>
    %broadcast_in_dim3A_659 = arith.constant -2.40382633E-7 : f32
    %broadcast_in_dim3A_660 = vector.broadcast %broadcast_in_dim3A_659 : f32 to vector<2000x128xf32>
    %mul3A_661 = arith.mulf %broadcast_in_dim3A_660, %mul3A_658 : vector<2000x128xf32>
    %add3A_662 = arith.constant 2.45708616E-5 : f32
    %add3A_663 = vector.broadcast %add3A_662 : f32 to vector<2000x128xf32>
    %add3A_664 = arith.addf %mul3A_661, %add3A_663 : vector<2000x128xf32>
    %mul3A_665 = arith.mulf %add3A_664, %mul3A_658 : vector<2000x128xf32>
    %add3A_666 = arith.constant -0.00138818799 : f32
    %add3A_667 = vector.broadcast %add3A_666 : f32 to vector<2000x128xf32>
    %add3A_668 = arith.addf %mul3A_665, %add3A_667 : vector<2000x128xf32>
    %mul3A_669 = arith.mulf %add3A_668, %mul3A_658 : vector<2000x128xf32>
    %add3A_670 = arith.constant 0.0416657068 : f32
    %add3A_671 = vector.broadcast %add3A_670 : f32 to vector<2000x128xf32>
    %add3A_672 = arith.addf %mul3A_669, %add3A_671 : vector<2000x128xf32>
    %mul3A_673 = arith.mulf %add3A_672, %mul3A_658 : vector<2000x128xf32>
    %add3A_674 = arith.constant -0.499999523 : f32
    %add3A_675 = vector.broadcast %add3A_674 : f32 to vector<2000x128xf32>
    %add3A_676 = arith.addf %mul3A_673, %add3A_675 : vector<2000x128xf32>
    %mul3A_677 = arith.mulf %add3A_676, %mul3A_658 : vector<2000x128xf32>
    %add3A_678 = arith.constant 0.99999994 : f32
    %add3A_679 = vector.broadcast %add3A_678 : f32 to vector<2000x128xf32>
    %add3A_680 = arith.addf %mul3A_677, %add3A_679 : vector<2000x128xf32>
    %get3A_681 = arith.constant 0 : index
    %get3A_682 = arith.constant 0 : index
    %get3A_683 = vector.load %arg19[%get3A_681, %get3A_682] : memref<128x128xf32, #tpu.memory_space<vmem>>, vector<128x128xf32>
    %dot_general3A_684 = arith.constant dense<0.000000e+00> : vector<2000x128xf32>
    %dot_general3A_685 = tpu.matmul %add3A_680, %get3A_683, %dot_general3A_684 {dimension_numbers = #tpu.dot_dimension_numbers<[1], [0], [0], [1], [0, 0, 1, 1], [], []>, transpose_lhs_hint = false} : vector<2000x128xf32>, vector<128x128xf32>, vector<2000x128xf32> -> vector<2000x128xf32>
    %add3A_686 = arith.addf %add3A_260, %dot_general3A_685 : vector<2000x128xf32>
    %max3A_687 = arith.constant 0.000000e+00 : f32
    %max3A_688 = vector.broadcast %max3A_687 : f32 to vector<2000x128xf32>
    %max3A_689 = arith.maximumf %add3A_686, %max3A_688 : vector<2000x128xf32>
    %get3A_690 = arith.constant 0 : index
    %get3A_691 = arith.constant 7 : index
    %get3A_692 = vector.load %arg5[%get3A_690, %get3A_691] : memref<2000x8xf32, #tpu.memory_space<vmem>>, vector<2000x1xf32>
    %dot_general3A_693 = arith.constant dense<0.000000e+00> : vector<1x128xf32>
    %dot_general3A_694 = tpu.matmul %get3A_692, %max3A_689, %dot_general3A_693 {dimension_numbers = #tpu.dot_dimension_numbers<[0], [0], [1], [1], [0, 1, 1, 1], [], []>, transpose_lhs_hint = false} : vector<2000x1xf32>, vector<2000x128xf32>, vector<1x128xf32> -> vector<1x128xf32>
    %eq3A_695 = arith.constant 0 : i32
    %eq3A_696 = arith.cmpi eq, %arg0, %eq3A_695 : i32
    %convert_element_type3A_697 = arith.extui %eq3A_696 : i1 to i32
    %cond3A_698 = arith.constant 0 : i32
    %cond3A_699 = arith.cmpi ne, %convert_element_type3A_697, %cond3A_698 : i32
    scf.if %cond3A_699 {
      %swap3A_710 = arith.constant 7 : index
      %swap3A_711 = arith.constant 0 : index
      %swap3A_712 = vector.load %arg26[%swap3A_710, %swap3A_711] : memref<8x128xf32, #tpu.memory_space<vmem>>, vector<1x128xf32>
      tpu.vector_store %arg26[%swap3A_710, %swap3A_711], %dot_general3A_694 {strides = array<i32>} : memref<8x128xf32, #tpu.memory_space<vmem>>, vector<1x128xf32>,
    } else {
    }
    %gt3A_700 = arith.constant 0 : i32
    %gt3A_701 = arith.cmpi sgt, %arg0, %gt3A_700 : i32
    %convert_element_type3A_702 = arith.extui %gt3A_701 : i1 to i32
    %cond3A_703 = arith.constant 0 : i32
    %cond3A_704 = arith.cmpi ne, %convert_element_type3A_702, %cond3A_703 : i32
    scf.if %cond3A_704 {
      %get3A_710 = arith.constant 7 : index
      %get3A_711 = arith.constant 0 : index
      %get3A_712 = vector.load %arg26[%get3A_710, %get3A_711] : memref<8x128xf32, #tpu.memory_space<vmem>>, vector<1x128xf32>
      %add3A_713 = arith.addf %get3A_712, %dot_general3A_694 : vector<1x128xf32>
      %swap3A_714 = arith.constant 7 : index
      %swap3A_715 = arith.constant 0 : index
      %swap3A_716 = vector.load %arg26[%swap3A_714, %swap3A_715] : memref<8x128xf32, #tpu.memory_space<vmem>>, vector<1x128xf32>
      tpu.vector_store %arg26[%swap3A_714, %swap3A_715], %add3A_713 {strides = array<i32>} : memref<8x128xf32, #tpu.memory_space<vmem>>, vector<1x128xf32>,
    } else {
    }
    %eq3A_705 = arith.constant 4 : i32
    %eq3A_706 = arith.cmpi eq, %arg0, %eq3A_705 : i32
    %convert_element_type3A_707 = arith.extui %eq3A_706 : i1 to i32
    %cond3A_708 = arith.constant 0 : i32
    %cond3A_709 = arith.cmpi ne, %convert_element_type3A_707, %cond3A_708 : i32
    scf.if %cond3A_709 {
      %get3A_710 = arith.constant 0 : index
      %get3A_711 = arith.constant 0 : index
      %get3A_712 = vector.load %arg26[%get3A_710, %get3A_711] : memref<8x128xf32, #tpu.memory_space<vmem>>, vector<8x128xf32>
      %get3A_713 = arith.constant 0 : index
      %get3A_714 = arith.constant 0 : index
      %get3A_715 = vector.load %arg21[%get3A_713, %get3A_714] : memref<128x128xf32, #tpu.memory_space<vmem>>, vector<128x128xf32>
      %dot_general3A_716 = arith.constant dense<0.000000e+00> : vector<8x128xf32>
      %dot_general3A_717 = tpu.matmul %get3A_712, %get3A_715, %dot_general3A_716 {dimension_numbers = #tpu.dot_dimension_numbers<[1], [0], [0], [1], [0, 0, 1, 1], [], []>, transpose_lhs_hint = false} : vector<8x128xf32>, vector<128x128xf32>, vector<8x128xf32> -> vector<8x128xf32>
      %get3A_718 = arith.constant 0 : index
      %get3A_719 = arith.constant 0 : index
      %get3A_720 = vector.load %arg28[%get3A_718, %get3A_719] : memref<8x128xf32, #tpu.memory_space<vmem>>, vector<8x128xf32>
      %add3A_721 = arith.addf %dot_general3A_717, %get3A_720 : vector<8x128xf32>
      %max3A_722 = arith.constant 0.000000e+00 : f32
      %max3A_723 = vector.broadcast %max3A_722 : f32 to vector<8x128xf32>
      %max3A_724 = arith.maximumf %add3A_721, %max3A_723 : vector<8x128xf32>
      %get3A_725 = arith.constant 0 : index
      %get3A_726 = arith.constant 0 : index
      %get3A_727 = vector.load %arg22[%get3A_725, %get3A_726] : memref<128x1xf32, #tpu.memory_space<vmem>>, vector<128x1xf32>
      %dot_general3A_728 = arith.constant dense<0.000000e+00> : vector<8x1xf32>
      %dot_general3A_729 = tpu.matmul %max3A_724, %get3A_727, %dot_general3A_728 {dimension_numbers = #tpu.dot_dimension_numbers<[1], [0], [0], [1], [0, 0, 1, 1], [], []>, transpose_lhs_hint = false} : vector<8x128xf32>, vector<128x1xf32>, vector<8x1xf32> -> vector<8x1xf32>
      %get3A_730 = arith.constant 0 : index
      %get3A_731 = arith.constant 0 : index
      %get3A_732 = vector.load %arg23[%get3A_730, %get3A_731] : memref<1x1xf32, #tpu.memory_space<vmem>>, vector<1x1xf32>
      %add3A_733 = vector.broadcast %get3A_732 : vector<1x1xf32> to vector<8x1xf32>
      %add3A_734 = arith.addf %dot_general3A_729, %add3A_733 : vector<8x1xf32>
      %swap3A_735 = arith.constant 0 : index
      %swap3A_736 = arith.constant 0 : index
      %swap3A_737 = vector.load %arg25[%swap3A_735, %swap3A_736] : memref<8x1xf32, #tpu.memory_space<vmem>>, vector<8x1xf32>
      tpu.vector_store %arg25[%swap3A_735, %swap3A_736], %add3A_734 {strides = array<i32>} : memref<8x1xf32, #tpu.memory_space<vmem>>, vector<8x1xf32>,
    } else {
    }
    return
  }
  func.func @transform_0(%arg0: i32, %arg1: memref<16xi32, #tpu.memory_space<smem>>) -> (i32, i32) {
    %c0_i32 = arith.constant 0 : i32
    %c0_i32_0 = arith.constant 0 : i32
    return %arg0, %c0_i32 : i32, i32
  }
  func.func @transform_1(%arg0: i32, %arg1: memref<16xi32, #tpu.memory_space<smem>>) -> (i32, i32) {
    %c0_i32 = arith.constant 0 : i32
    %c0_i32_0 = arith.constant 0 : i32
    return %arg0, %c0_i32 : i32, i32
  }
  func.func @transform_2(%arg0: i32, %arg1: memref<16xi32, #tpu.memory_space<smem>>) -> (i32, i32) {
    %c0_i32 = arith.constant 0 : i32
    %c0_i32_0 = arith.constant 0 : i32
    return %arg0, %c0_i32 : i32, i32
  }
  func.func @transform_3(%arg0: i32, %arg1: memref<16xi32, #tpu.memory_space<smem>>) -> (i32, i32) {
    %c0_i32 = arith.constant 0 : i32
    %c0_i32_0 = arith.constant 0 : i32
    return %arg0, %c0_i32 : i32, i32
  }
  func.func @transform_4(%arg0: i32, %arg1: memref<16xi32, #tpu.memory_space<smem>>) -> (i32, i32) {
    %c0_i32 = arith.constant 0 : i32
    %c0_i32_0 = arith.constant 0 : i32
    %c0_i32_1 = arith.constant 0 : i32
    return %c0_i32, %c0_i32_0 : i32, i32
  }
  func.func @transform_5(%arg0: i32, %arg1: memref<16xi32, #tpu.memory_space<smem>>) -> (i32, i32) {
    %c0_i32 = arith.constant 0 : i32
    %c0_i32_0 = arith.constant 0 : i32
    %c0_i32_1 = arith.constant 0 : i32
    return %c0_i32, %c0_i32_0 : i32, i32
  }
  func.func @transform_6(%arg0: i32, %arg1: memref<16xi32, #tpu.memory_space<smem>>) -> (i32, i32) {
    %c0_i32 = arith.constant 0 : i32
    %c0_i32_0 = arith.constant 0 : i32
    %c0_i32_1 = arith.constant 0 : i32
    return %c0_i32, %c0_i32_0 : i32, i32
  }
  func.func @transform_7(%arg0: i32, %arg1: memref<16xi32, #tpu.memory_space<smem>>) -> (i32, i32) {
    %c0_i32 = arith.constant 0 : i32
    %c0_i32_0 = arith.constant 0 : i32
    %c0_i32_1 = arith.constant 0 : i32
    return %c0_i32, %c0_i32_0 : i32, i32
  }
  func.func @transform_8(%arg0: i32, %arg1: memref<16xi32, #tpu.memory_space<smem>>) -> (i32, i32) {
    %c0_i32 = arith.constant 0 : i32
    %c0_i32_0 = arith.constant 0 : i32
    %c0_i32_1 = arith.constant 0 : i32
    return %c0_i32, %c0_i32_0 : i32, i32
  }
  func.func @transform_9(%arg0: i32, %arg1: memref<16xi32, #tpu.memory_space<smem>>) -> (i32, i32) {
    %c0_i32 = arith.constant 0 : i32
    %c0_i32_0 = arith.constant 0 : i32
    %c0_i32_1 = arith.constant 0 : i32
    return %c0_i32, %c0_i32_0 : i32, i32
  }
  func.func @transform_10(%arg0: i32, %arg1: memref<16xi32, #tpu.memory_space<smem>>) -> (i32, i32) {
    %c0_i32 = arith.constant 0 : i32
    %c0_i32_0 = arith.constant 0 : i32
    %c0_i32_1 = arith.constant 0 : i32
    return %c0_i32, %c0_i32_0 : i32, i32
  }
  func.func @transform_11(%arg0: i32, %arg1: memref<16xi32, #tpu.memory_space<smem>>) -> (i32, i32) {
    %c0_i32 = arith.constant 0 : i32
    %c0_i32_0 = arith.constant 0 : i32
    %c0_i32_1 = arith.constant 0 : i32
    return %c0_i32, %c0_i32_0 : i32, i32
  }
  func.func @transform_12(%arg0: i32, %arg1: memref<16xi32, #tpu.memory_space<smem>>) -> (i32, i32) {
    %c0_i32 = arith.constant 0 : i32
    %c0_i32_0 = arith.constant 0 : i32
    %c0_i32_1 = arith.constant 0 : i32
    return %c0_i32, %c0_i32_0 : i32, i32
  }
  func.func @transform_13(%arg0: i32, %arg1: memref<16xi32, #tpu.memory_space<smem>>) -> (i32, i32) {
    %c0_i32 = arith.constant 0 : i32
    %c0_i32_0 = arith.constant 0 : i32
    %c0_i32_1 = arith.constant 0 : i32
    return %c0_i32, %c0_i32_0 : i32, i32
  }
  func.func @transform_14(%arg0: i32, %arg1: memref<16xi32, #tpu.memory_space<smem>>) -> (i32, i32) {
    %c0_i32 = arith.constant 0 : i32
    %c0_i32_0 = arith.constant 0 : i32
    %c0_i32_1 = arith.constant 0 : i32
    return %c0_i32, %c0_i32_0 : i32, i32
  }
  func.func @transform_15(%arg0: i32, %arg1: memref<16xi32, #tpu.memory_space<smem>>) -> (i32, i32) {
    %c0_i32 = arith.constant 0 : i32
    %c0_i32_0 = arith.constant 0 : i32
    %c0_i32_1 = arith.constant 0 : i32
    return %c0_i32, %c0_i32_0 : i32, i32
  }
  func.func @transform_16(%arg0: i32, %arg1: memref<16xi32, #tpu.memory_space<smem>>) -> (i32, i32) {
    %c0_i32 = arith.constant 0 : i32
    %c0_i32_0 = arith.constant 0 : i32
    %c0_i32_1 = arith.constant 0 : i32
    return %c0_i32, %c0_i32_0 : i32, i32
  }
  func.func @transform_17(%arg0: i32, %arg1: memref<16xi32, #tpu.memory_space<smem>>) -> (i32, i32) {
    %c0_i32 = arith.constant 0 : i32
    %c0_i32_0 = arith.constant 0 : i32
    %c0_i32_1 = arith.constant 0 : i32
    return %c0_i32, %c0_i32_0 : i32, i32
  }
  func.func @transform_18(%arg0: i32, %arg1: memref<16xi32, #tpu.memory_space<smem>>) -> (i32, i32) {
    %c0_i32 = arith.constant 0 : i32
    %c0_i32_0 = arith.constant 0 : i32
    %c0_i32_1 = arith.constant 0 : i32
    return %c0_i32, %c0_i32_0 : i32, i32
  }
  func.func @transform_19(%arg0: i32, %arg1: memref<16xi32, #tpu.memory_space<smem>>) -> (i32, i32) {
    %c0_i32 = arith.constant 0 : i32
    %c0_i32_0 = arith.constant 0 : i32
    %c0_i32_1 = arith.constant 0 : i32
    return %c0_i32, %c0_i32_0 : i32, i32
  }
  func.func @transform_20(%arg0: i32, %arg1: memref<16xi32, #tpu.memory_space<smem>>) -> (i32, i32) {
    %c0_i32 = arith.constant 0 : i32
    %c0_i32_0 = arith.constant 0 : i32
    %c0_i32_1 = arith.constant 0 : i32
    return %c0_i32, %c0_i32_0 : i32, i32
  }
  func.func @transform_21(%arg0: i32, %arg1: memref<16xi32, #tpu.memory_space<smem>>) -> (i32, i32) {
    %c0_i32 = arith.constant 0 : i32
    %c0_i32_0 = arith.constant 0 : i32
    %c0_i32_1 = arith.constant 0 : i32
    return %c0_i32, %c0_i32_0 : i32, i32
  }
  func.func @transform_22(%arg0: i32, %arg1: memref<16xi32, #tpu.memory_space<smem>>) -> (i32, i32) {
    %c0_i32 = arith.constant 0 : i32
    %c0_i32_0 = arith.constant 0 : i32
    return %arg0, %c0_i32 : i32, i32
  }
  func.func @transform_23(%arg0: i32, %arg1: memref<16xi32, #tpu.memory_space<smem>>) -> (i32, i32) {
    %c0_i32 = arith.constant 0 : i32
    %c0_i32_0 = arith.constant 0 : i32
    %c0_i32_1 = arith.constant 0 : i32
    return %c0_i32, %c0_i32_0 : i32, i32
  }
}

</mosaic_0001>

<sc_bundles>
// kernel: kernel.4.cloned.1.call-start
scs
__scs_entry_jumppad:
0x0: {  	(pc) =	sbr.rel $0x88, $3  }
0x1: {  	(tag) =	ssettag $0x0;
	lr =	simm.s32 $0x1  }
0x2: {  	[smem:$0x3F8D] =	sst lr;
	_ =	strace $0xD0000000  }
0x3: {  	_ = 	snop  }
0x4: {  	_ = 	snop  }
0x5: {  	_ = 	snop  }
0x6: {  	_ = 	snop  }
0x7: {  	_ = 	snop  }
__scs_overlays_trampoline_lowered:
0x8: {  	[smem:$0x3F9C] =	sst s0  }
0x9: {  	[smem:$0x3F9D] =	sst s1  }
0xa: {  	[smem:$0x3F9E] =	sst s2  }
0xb: {  	[smem:$0x3F9F] =	sst s3  }
0xc: {  	[smem:$0x3FA0] =	sst s4  }
0xd: {  	[smem:$0x3FA1] =	sst s5  }
0xe: {  	[smem:$0x3FA2] =	sst s6  }
0xf: {  	[smem:$0x3FA3] =	sst s7  }
0x10: {  	[smem:$0x3FA4] =	sst s8  }
0x11: {  	[smem:$0x3FA5] =	sst s9;
	s0 =	simm.s32 @!p0 $0x0  }
0x12: {  	s1 =	sld [smem:$0x3F8B];
	s0 =	simm.s32 @p0 $0x1  }
0x13: {  	[smem:$0x3FA6] =	sst s0;
	s0 =	simm.s32 @!p1 $0x0  }
0x14: {  	s2 =	sld [smem:$0x3F8A];
	s0 =	simm.s32 @p1 $0x1  }
0x15: {  	[smem:$0x3FA7] =	sst s0;
	s0 =	simm.s32 @!p2 $0x0  }
0x16: {  	s3 =	sld [smem:$0x3FDB];
	s0 =	simm.s32 @p2 $0x1  }
0x17: {  	s4 =	simm.s32 $0x1BF5;
	[smem:$0x3FA9] =	sst s0  }
0x18: {  	s0 =	sld [smem:$0x3F8C];
	_ =	swait.ge [sflag:s4], $0x0  }
0x19: {  	s7 =	sld [smem:$0x3F8D]  }
0x1a: {  	s8 =	sadd.s32 $0xFFFFE003, lr  }
0x1b: {  	s9 =	sadd.s32 $0xFFFFFEF7, lr;
	s5 =	simm.s32 $0xFFFFFFFF;
	p2 =	slt.u32 s8, $0xFFFFF086  }
0x1c: {  	p1 =	slt.u32 s9, $0xF7A;
	s5 =	simm.s32 @!p2 $0x0  }
0x1d: {  	s5 =	simm.s32 @p1 $0x1;
	p0 =	seq.s32 s7, s2  }
0x1e: {  	s7 =	smul.u32 @!p0 $0xF7A, s2;
	p2 =	seq.s32 @!p0 s5, $0x0  }
0x1f: {  	s9 =	smul.u32 $0xF7A, s1;
	s8 =	simm.s32 @!p0 $0x1BF5;
	p2 =	por !p2, p0  }
0x20: {  	[sflag:s8] =	ssyncset.s32 @!p0 $0xFFFFF086;
	s6 =	sadd.s32 @!p0 s3, s7;
	s7 =	simm.s32 @!p0 $0x108  }
0x21: {  	s3 =	sadd.s32 s3, s9;
	s6 =	sadd.s32 @!p0 $0x88, s6;
	s7 =	simm.s32 @p2 $0x1082  }
0x22: {  	[simem:s7], [sflag:s8] =	dma.local @!p0 [hbm:s6], $0xF7A  }
0x23: {  	s9 =	sor.u32 $0xD0000000, s2;
	s6 =	simm.s32 $0x108;
	_ =	swait.ge @!p0 [sflag:s8], $0x0  }
0x24: {  	s3 =	sadd.s32 $0x88, s3;
	s6 =	simm.s32 @!p1 $0x1082;
	[sflag:s4] =	ssyncset.s32 $0xFFFFF086  }
0x25: {  	[simem:s6], [sflag:s4] =	dma.local [hbm:s3], $0xF7A  }
0x26: {  	[smem:$0x3F8D] =	sst s1;
	(tag) =	ssettag s2;
	_ =	strace s9  }
0x27: {  	s1 =	sld [smem:$0x3F9D]  }
0x28: {  	s2 =	sld [smem:$0x3F9E]  }
0x29: {  	s4 =	sld [smem:$0x3FA0]  }
0x2a: {  	p0 =	seq.s32 s5, $0x0;
	s5 =	sld [smem:$0x3FA1]  }
0x2b: {  	s6 =	sld [smem:$0x3FA2]  }
0x2c: {  	s7 =	sld [smem:$0x3FA3]  }
0x2d: {  	s3 =	simm.s32 $0x108;
	s8 =	sld [smem:$0x3FA4]  }
0x2e: {  	s3 =	simm.s32 @!p0 $0x1082;
	s9 =	sld [smem:$0x3FA5]  }
0x2f: {  	lr =	sadd.s32 s0, s3;
	s0 =	sld [smem:$0x3F9C]  }
0x30: {  	s3 =	sld [smem:$0x3F9F]  }
0x31: {  	[smem:$0x3FA8] =	sst s10  }
0x32: {  	s10 =	sld [smem:$0x3FA6];
	_ =	sdelay $0x3  }
0x33: {  	p0 =	seq.s32 s10, $0x1;
	s10 =	sld [smem:$0x3FA8];
	_ =	sdelay $0x3  }
0x34: {  	[smem:$0x3FA8] =	sst s10  }
0x35: {  	s10 =	sld [smem:$0x3FA7];
	_ =	sdelay $0x3  }
0x36: {  	p1 =	seq.s32 s10, $0x1;
	s10 =	sld [smem:$0x3FA8];
	_ =	sdelay $0x3  }
0x37: {  	[smem:$0x3FA8] =	sst s10  }
0x38: {  	s10 =	sld [smem:$0x3FA9]  }
0x39: {  	_ = 	snop;
	(pc) =	sbr.ind lr, $3  }
0x3a: {  	_ = 	snop  }
0x3b: {  	_ = 	snop  }
0x3c: {  	p2 =	seq.s32 s10, $0x1;
	s10 =	sld [smem:$0x3FA8]  }
0x3d: {  	_ =	shalt  }
0x3e: {  	_ =	shalt  }
0x3f: {  	_ =	shalt  }
0x40: {  	_ =	shalt  }
0x41: {  	_ =	shalt  }
0x42: {  	_ =	shalt  }
0x43: {  	_ =	shalt  }
0x44: {  	_ =	shalt  }
0x45: {  	_ =	shalt  }
0x46: {  	_ =	shalt  }
0x47: {  	_ =	shalt  }
0x48: {  	_ =	shalt  }
0x49: {  	_ =	shalt  }
0x4a: {  	_ =	shalt  }
0x4b: {  	_ =	shalt  }
0x4c: {  	_ =	shalt  }
0x4d: {  	_ =	shalt  }
0x4e: {  	_ =	shalt  }
0x4f: {  	_ =	shalt  }
0x50: {  	_ =	shalt  }
0x51: {  	_ =	shalt  }
0x52: {  	_ =	shalt  }
0x53: {  	_ =	shalt  }
0x54: {  	_ =	shalt  }
0x55: {  	_ =	shalt  }
0x56: {  	_ =	shalt  }
0x57: {  	_ =	shalt  }
0x58: {  	_ =	shalt  }
0x59: {  	_ =	shalt  }
0x5a: {  	_ =	shalt  }
0x5b: {  	_ =	shalt  }
0x5c: {  	_ =	shalt  }
0x5d: {  	_ =	shalt  }
0x5e: {  	_ =	shalt  }
0x5f: {  	_ =	shalt  }
0x60: {  	_ =	shalt  }
0x61: {  	_ =	shalt  }
0x62: {  	_ =	shalt  }
0x63: {  	_ =	shalt  }
0x64: {  	_ =	shalt  }
0x65: {  	_ =	shalt  }
0x66: {  	_ =	shalt  }
0x67: {  	_ =	shalt  }
0x68: {  	_ =	shalt  }
0x69: {  	_ =	shalt  }
0x6a: {  	_ =	shalt  }
0x6b: {  	_ =	shalt  }
0x6c: {  	_ =	shalt  }
0x6d: {  	_ =	shalt  }
0x6e: {  	_ =	shalt  }
0x6f: {  	_ =	shalt  }
0x70: {  	_ =	shalt  }
0x71: {  	_ =	shalt  }
0x72: {  	_ =	shalt  }
0x73: {  	_ =	shalt  }
0x74: {  	_ =	shalt  }
0x75: {  	_ =	shalt  }
0x76: {  	_ =	shalt  }
0x77: {  	_ =	shalt  }
0x78: {  	_ =	shalt  }
0x79: {  	_ =	shalt  }
0x7a: {  	_ =	shalt  }
0x7b: {  	_ =	shalt  }
0x7c: {  	_ =	shalt  }
0x7d: {  	_ =	shalt  }
0x7e: {  	_ =	shalt  }
0x7f: {  	_ =	shalt  }
0x80: {  	_ =	shalt  }
0x81: {  	_ =	shalt  }
0x82: {  	_ =	shalt  }
0x83: {  	_ =	shalt  }
0x84: {  	_ =	shalt  }
0x85: {  	_ =	shalt  }
0x86: {  	_ =	shalt  }
0x87: {  	_ =	shalt  }
.Lfunc_end0:
.L_simem_size_0:
called_computation_lowered:
.L_overlay_start_0:
0x88: {  	s2 =	sld [smem:$0x3FD9]  }
0x89: {  	s3 =	sld [smem:$0x3FFE];
	_ =	sdelay $0x1  }
0x8a: {  	s1 =	srdreg.scid  }
0x8b: {  	s0 =	sand.u32 $0x1, s1  }
0x8c: {  	s14 =	sshll.u32 s0, $0xA;
	s2 =	sadd.s32 s3, s2  }
0x8d: {  	s2 =	sadd.s32 s2, s14  }
0x8e: {  	[smem:$0x3FB4] =	sst s2  }
0x8f: {  	_ = 	snop  }
0x90: {  	s2 =	sld [smem:$0x3FD0];
	_ =	sdelay $0x1  }
0x91: {  	s15 =	sld [smem:$0x3FC5]  }
0x92: {  	s5 =	simm.s32 $0xA;
	s6 =	simm.s32 $0x10;
	s4 =	sld [smem:$0x3FC3]  }
0x93: {  	[smem:s6], [sflag:s5] =	dma.local [hbm:s2], $0x1  }
0x94: {  	_ =	swait.eq [sflag:s5], $0x1  }
0x95: {  	[sflag:s5] =	ssyncset.done $0x0  }
0x96: {  	s16 =	sld [smem:$0x10];
	[sflag:s5] =	ssyncadd.s32 $0xFFFFFFFF  }
0x97: {  	s17 =	sld [smem:$0x11];
	(tm) =	ssettm $0x1  }
0x98: {  	s18 =	sld [smem:$0x3FFB];
	_ =	sdelay $0x3  }
0x99: {  	_ =	strace s18  }
0x9a: {  	s6 =	sld [smem:$0x3FFC];
	_ =	sdelay $0x3  }
0x9b: {  	_ =	strace s6  }
0x9c: {  	s6 =	sld [smem:$0x3FFD];
	_ =	sdelay $0x3  }
0x9d: {  	_ =	strace s6  }
0x9e: {  	_ =	strace $0x8FFFFFFF  }
0x9f: {  	s19 =	sld [smem:$0x3FDB];
	_ =	sdelay $0x1  }
0xa0: {  	s7 =	simm.s32 $_scs_section_size  }
0xa1: {  	s8 =	simm.s32 $_size__tile_overlayer_lowered;
	s9 =	simm.s32 $_tile_overlayer_lowered  }
0xa2: {  	s22 =	simm.s32 $0x1BFF;
	s21 =	sshll.u32 s9, $0x1;
	s6 =	sadd.s32 s7, s19  }
0xa3: {  	s10 =	simm.s32 $0x0;
	s20 =	sshll.u32 s8, $0x1;
	s8 =	sadd.s32 s21, s6  }
0xa4: {  	[timem:s10], [sflag:s22] =	dma.local [hbm:s8], s20  }
0xa5: {  	_ =	swait.ge [sflag:s22], s20  }
0xa6: {  	s7 =	ssub.s32 $0x0, s20;
	[sflag:s22] =	ssyncset.done $0x0  }
0xa7: {  	[sflag:s22] =	ssyncadd.s32 s7;
	_ =	sdelay $0x1  }
0xa8: {  	s23 =	simm.s32 $0x1B8B  }
0xa9: {  	_ =	swait.ge [sflag:s23], $0x1  }
0xaa: {  	[sflag:s23] =	ssyncset.done $0x0  }
0xab: {  	s25 =	simm.s32 $0x1B8E;
	s24 =	sld [smem:$0x3FFE];
	[sflag:s23] =	ssyncadd.s32 $0xFFFFFFFF  }
0xac: {  	s26 =	simm.s32 $execute0_lowered;
	[smem:$0x3FD2] =	sst s25  }
0xad: {  	s8 =	sshll.u32 s26, $0x1;
	_ =	strace $0x80000046;
	[dreg:$0x1] =	wrdreg $0xFFFFFFFF  }
0xae: {  	s28 =	simm.s32 $_size_execute0_lowered;
	s6 =	sadd.s32 s6, s8;
	[dreg:$0x0] =	wrdreg $0x0  }
0xaf: {  	s8 =	sshll.u32 s28, $0x1;
	[dreg:$0x2] =	wrdreg s6  }
0xb0: {  	[dreg:$0x3] =	wrdreg s8  }
0xb1: {  	[dreg:$0x4] =	wrdreg $0xC0  }
0xb2: {  	_ =	task [dreg:s10], $0x5FFFF  }
0xb3: {  	[dreg:$0x1] =	wrdreg $0xFFFFFFFF  }
0xb4: {  	[dreg:$0x0] =	wrdreg $0x60  }
0xb5: {  	[dreg:$0x2] =	wrdreg s4  }
0xb6: {  	[dreg:$0x3] =	wrdreg s17  }
0xb7: {  	[dreg:$0x4] =	wrdreg s24  }
0xb8: {  	[dreg:$0x5] =	wrdreg s16  }
0xb9: {  	[dreg:$0x6] =	wrdreg s15  }
0xba: {  	[dreg:$0x7] =	wrdreg $0x9  }
0xbb: {  	_ =	task.clear_ibuf [dreg:s10], $0x8FFFF;
	_ =	strace $0x90000046  }
0xbc: {  	s29 =	simm.s32 $0x9;
	_ =	strace $0x80000048  }
0xbd: {  	_ =	swait.ge [sflag:s29], $0x1  }
0xbe: {  	[sflag:s29] =	ssyncadd.s32 $0xFFFFFFFF  }
0xbf: {  	_ =	strace $0x90000048  }
0xc0: {  	_ =	sfence  }
0xc1: {  	s30 =	sld [smem:$0x0];
	_ =	sdelay $0x2  }
0xc2: {  	s31 =	sshll.u32 s1, $0xD;
	s1 =	sshrl.u32 s1, $0x2  }
0xc3: {  	s3 =	sand.u32 $0x4000, s31;
	s1 =	sadd.s32 s1, s30  }
0xc4: {  	s0 =	sor.u32 s3, s0;
	s1 =	sshll.u32 s1, $0x11  }
0xc5: {  	s0 =	sor.u32 s1, s0  }
0xc6: {  	s0 =	sadd.s32 $0x8F2B, s0  }
0xc7: {  	[sflag:s0] =	ssyncadd.remote.s32 $0x1  }
0xc8: {  	_ =	sfence.sel $0xFFFF  }
0xc9: {  	[dreg:$0x0] =	wrdreg $0xFFFFFFFF;
	(pc) =	sbr.abs _section_cstart, $3  }
0xca: {  	[dreg:$0x1] =	wrdreg $0xFFFFFFFF  }
0xcb: {  	_ =	task.clear_ibuf [dreg:s10], $0x2FFFF;
	_ =	strace $0x9FFFFFFF  }
0xcc: {  	(tm) =	ssettm $0x7FFFFFFF  }
0xcd: {  	_ =	shalt  }
tec
execute0_lowered:
.L_overlay_start_1:
0x0: {  	(tag) =	ssettag $0x1  }
0x1: {  	s0 =	srdreg.scid  }
0x2: {  	s21 =	sand.u32 $0x1, s0;
	s0 =	stileid.u32  }
0x3: {  	s6 =	sshll.u32 s0, $0x1;
	s7 =	ssub.s32 $0x0, s21  }
0x4: {  	s1 =	rddreg [dreg:$0x0];
	p0 =	sne.s32 s6, s7  }
.Ltmp0:
0x5: {  	s3 =	rddreg [dreg:$0x1];
	(pc) =	sbr.rel @p0 .LBB2_4-.Ltmp0, $4  }
0x6: {  	s20 =	rddreg [dreg:$0x2]  }
0x7: {  	s4 =	rddreg [dreg:$0x3]  }
0x8: {  	s5 =	rddreg [dreg:$0x4]  }
0x9: {  	s2 =	rddreg [dreg:$0x5];
	_ =	strace $0x80000047  }
0xa: {  	s6 =	sadd.s32 $0x3400, s20;
	s8 =	simm.s32 $0x0;
	s7 =	simm.s32 $0x2  }
0xb: {  	[tilespmem:s8], [sflag:$0x2] =	stream.linear.gather [hbm4b:s6+s8], $0x80, $0x38;
	[tilespmem:$0xA80] =	vst v63  }
0xc: {  	_ =	swait.ge [sflag:s7], $0x80  }
0xd: {  	[sflag:s7] =	ssyncset.done $0x0  }
0xe: {  	s9 =	simm.s32 $0x80;
	[sflag:s7] =	ssyncadd.s32 $0xFFFFFF80  }
0xf: {  	[tilespmem:s9], [sflag:$0x2] =	stream.linear.gather [hbm4b:s4+s8], $0x80, $0x38;
	[tilespmem:$0xA80] =	vst v63  }
0x10: {  	_ =	swait.ge [sflag:s7], $0x80  }
0x11: {  	[sflag:s7] =	ssyncset.done $0x0  }
0x12: {  	s10 =	simm.s32 $0x100;
	[sflag:s7] =	ssyncadd.s32 $0xFFFFFF80  }
0x13: {  	[tilespmem:s10], [sflag:$0x2] =	stream.linear.gather [hbm4b:s5+s8], $0x80, $0x38;
	[tilespmem:$0xA80] =	vst v63  }
0x14: {  	_ =	swait.ge [sflag:s7], $0x80  }
0x15: {  	[sflag:s7] =	ssyncset.done $0x0  }
0x16: {  	s11 =	simm.s32 $0x10;
	s12 =	simm.s32 $0x180;
	[sflag:s7] =	ssyncadd.s32 $0xFFFFFF80  }
0x17: {  	[tilespmem:s12], [sflag:$0x1] =	stream.indirect.gather [hbm4b:s1+s11], $0x80, s8, s11, $0xb8;
	[tilespmem:$0xA80] =	vst v63  }
0x18: {  	s13 =	sadd.s32 $0x2E00, s20;
	s14 =	simm.s32 $0x980  }
0x19: {  	[tilespmem:s14], [sflag:$0x1] =	stream.indirect.gather [hbm4b:s3+s11], $0x1, s9, s11, $0xb8;
	[tilespmem:$0xA80] =	vst v63  }
0x1a: {  	s15 =	simm.s32 $0x8;
	s16 =	simm.s32 $0xA00;
	s17 =	simm.s32 $0x1  }
0x1b: {  	[tilespmem:s16], [sflag:$0x1] =	stream.indirect.gather [hbm4b:s13+s15], $0x1, s10, s15, $0xb8;
	[tilespmem:$0xA80] =	vst v63  }
0x1c: {  	_ =	swait.ge [sflag:s17], $0x800  }
0x1d: {  	[sflag:s17] =	ssyncset.done $0x0  }
0x1e: {  	[sflag:s17] =	ssyncadd.s32 $0xFFFFF800  }
0x1f: {  	_ =	swait.ge [sflag:s17], $0x10  }
0x20: {  	[sflag:s17] =	ssyncset.done $0x0  }
0x21: {  	[sflag:s17] =	ssyncadd.s32 $0xFFFFFFF0  }
0x22: {  	_ =	swait.ge [sflag:s17], $0x8  }
0x23: {  	[sflag:s17] =	ssyncset.done $0x0  }
0x24: {  	s18 =	sadd.s32 $0x3A00, s20;
	s21 =	ssub.s32 $0x2, s21;
	[sflag:s17] =	ssyncadd.s32 $0xFFFFFFF8  }
0x25: {  	[hbm4b:s18+s8] =	stream.linear.scatter [tilespmem:s12], [sflag:$0x2], $0x800, $0x38;
	[tilespmem:$0xA80] =	vst v63  }
0x26: {  	s22 =	sshrl.u32 s21, $0x1;
	_ =	swait.ge [sflag:s7], $0x800  }
0x27: {  	s21 =	ssub.s32 s21, s22;
	[sflag:s7] =	ssyncset.done $0x0  }
0x28: {  	s19 =	sadd.s32 $0x3800, s20;
	s21 =	smax.u32 s21, $0x1;
	[sflag:s7] =	ssyncadd.s32 $0xFFFFF800  }
0x29: {  	[hbm4b:s19+s8] =	stream.linear.scatter [tilespmem:s14], [sflag:$0x2], $0x80, $0x38;
	[tilespmem:$0xA80] =	vst v63  }
0x2a: {  	p0 =	sne.s32 s21, $0x1;
	_ =	swait.ge [sflag:s7], $0x80  }
.Ltmp1:
0x2b: {  	[sflag:s7] =	ssyncset.done $0x0;
	(pc) =	sbr.rel @!p0 .LBB2_3-.Ltmp1, $4  }
0x2c: {  	s20 =	sadd.s32 $0x3600, s20;
	[sflag:s7] =	ssyncadd.s32 $0xFFFFFF80  }
0x2d: {  	[hbm4b:s20+s8] =	stream.linear.scatter [tilespmem:s16], [sflag:$0x2], $0x80, $0x38;
	[tilespmem:$0xA80] =	vst v63  }
0x2e: {  	_ =	swait.ge [sflag:s7], $0x80  }
0x2f: {  	s21 =	sadd.s32 $0xFFFFFFFF, s21;
	[sflag:s7] =	ssyncset.done $0x0  }
.LBB2_2:
0x30: {  	p0 =	sne.s32 s21, $0x1;
	s21 =	sadd.s32 $0xFFFFFFFF, s21;
	[sflag:s7] =	ssyncadd.s32 $0xFFFFFF80  }
0x31: {  	[tilespmem:s8], [sflag:$0x2] =	stream.linear.gather [hbm4b:s6+s8], $0x80, $0x38;
	[tilespmem:$0xA80] =	vst v63  }
0x32: {  	_ =	swait.ge [sflag:s7], $0x80  }
0x33: {  	[sflag:s7] =	ssyncset.done $0x0  }
0x34: {  	[sflag:s7] =	ssyncadd.s32 $0xFFFFFF80  }
0x35: {  	[tilespmem:s9], [sflag:$0x2] =	stream.linear.gather [hbm4b:s4+s8], $0x80, $0x38;
	[tilespmem:$0xA80] =	vst v63  }
0x36: {  	_ =	swait.ge [sflag:s7], $0x80  }
0x37: {  	[sflag:s7] =	ssyncset.done $0x0  }
0x38: {  	[sflag:s7] =	ssyncadd.s32 $0xFFFFFF80  }
0x39: {  	[tilespmem:s10], [sflag:$0x2] =	stream.linear.gather [hbm4b:s5+s8], $0x80, $0x38;
	[tilespmem:$0xA80] =	vst v63  }
0x3a: {  	_ =	swait.ge [sflag:s7], $0x80  }
0x3b: {  	[sflag:s7] =	ssyncset.done $0x0  }
0x3c: {  	[sflag:s7] =	ssyncadd.s32 $0xFFFFFF80  }
0x3d: {  	[tilespmem:s12], [sflag:$0x1] =	stream.indirect.gather [hbm4b:s1+s11], $0x80, s8, s11, $0xb8;
	[tilespmem:$0xA80] =	vst v63  }
0x3e: {  	_ = 	snop  }
0x3f: {  	[tilespmem:s14], [sflag:$0x1] =	stream.indirect.gather [hbm4b:s3+s11], $0x1, s9, s11, $0xb8;
	[tilespmem:$0xA80] =	vst v63  }
0x40: {  	_ = 	snop  }
0x41: {  	[tilespmem:s16], [sflag:$0x1] =	stream.indirect.gather [hbm4b:s13+s15], $0x1, s10, s15, $0xb8;
	[tilespmem:$0xA80] =	vst v63  }
0x42: {  	_ =	swait.ge [sflag:s17], $0x800  }
0x43: {  	[sflag:s17] =	ssyncset.done $0x0  }
0x44: {  	[sflag:s17] =	ssyncadd.s32 $0xFFFFF800  }
0x45: {  	_ =	swait.ge [sflag:s17], $0x10  }
0x46: {  	[sflag:s17] =	ssyncset.done $0x0  }
0x47: {  	[sflag:s17] =	ssyncadd.s32 $0xFFFFFFF0  }
0x48: {  	_ =	swait.ge [sflag:s17], $0x8  }
0x49: {  	[sflag:s17] =	ssyncset.done $0x0  }
0x4a: {  	[sflag:s17] =	ssyncadd.s32 $0xFFFFFFF8  }
0x4b: {  	[hbm4b:s18+s8] =	stream.linear.scatter [tilespmem:s12], [sflag:$0x2], $0x800, $0x38;
	[tilespmem:$0xA80] =	vst v63  }
0x4c: {  	_ =	swait.ge [sflag:s7], $0x800  }
0x4d: {  	[sflag:s7] =	ssyncset.done $0x0  }
0x4e: {  	[sflag:s7] =	ssyncadd.s32 $0xFFFFF800  }
0x4f: {  	[hbm4b:s19+s8] =	stream.linear.scatter [tilespmem:s14], [sflag:$0x2], $0x80, $0x38;
	[tilespmem:$0xA80] =	vst v63  }
0x50: {  	_ =	swait.ge [sflag:s7], $0x80  }
.Ltmp2:
0x51: {  	[sflag:s7] =	ssyncset.done $0x0;
	(pc) =	sbr.rel @p0 .LBB2_2-.Ltmp2, $4  }
0x52: {  	[sflag:s7] =	ssyncadd.s32 $0xFFFFFF80  }
0x53: {  	[hbm4b:s20+s8] =	stream.linear.scatter [tilespmem:s16], [sflag:$0x2], $0x80, $0x38;
	[tilespmem:$0xA80] =	vst v63  }
0x54: {  	_ =	swait.ge [sflag:s7], $0x80  }
0x55: {  	[sflag:s7] =	ssyncset.done $0x0  }
.LBB2_3:
0x56: {  	[sflag:s7] =	ssyncadd.s32 $0xFFFFFF80  }
.LBB2_4:
0x57: {  	_ =	sfence.sel $0x180000  }
0x58: {  	[bflag:$0x0] =	sbarrier.arrive $0xFFFF  }
0x59: {  	p0 =	sne.s32 s0, $0x0;
	_ =	strace $0x90000047  }
0x5a: {  	s0 =	sadd.s32 @!p0 $0x100000, s2;
	[bflag:$0x2] =	sbarrier.arrive $0xFFFF  }
0x5b: {  	[sflag:s0] =	ssyncadd.tile.s32 @!p0 $0x1;
	_ =	shalt  }
.Lfunc_end2:
_tile_overlayer_lowered:
.L_overlay_start_2:
0x5c: {  	(tag) =	ssettag $0x2  }
0x5d: {  	s0 =	rddreg [dreg:$0x0];
	s2 =	stileid.u32  }
0x5e: {  	s1 =	rddreg [dreg:$0x1];
	p0 =	sne.s32 s2, $0x0  }
0x5f: {  	s3 =	rddreg [dreg:$0x2];
	[bflag:$0x3] =	sbarrier.arrive $0xFFFF;
	s2 =	simm.s32 @!p0 $0x1C02  }
0x60: {  	[timem:s3], [sflag:s2] =	dma.local @!p0 [hbm:s0], s1  }
0x61: {  	s0 =	simm.s32 @!p0 $0x2  }
0x62: {  	_ =	swait.ge @!p0 [sflag:s0], s1  }
0x63: {  	s1 =	ssub.s32 @!p0 $0x0, s1;
	[sflag:s0] =	ssyncset.done @!p0 $0x0  }
0x64: {  	[sflag:s0] =	ssyncadd.s32 @!p0 s1  }
0x65: {  	[bflag:$0x3] =	sbarrier.arrive $0xFFFF  }
0x66: {  	_ =	shalt  }

</sc_bundles>
